<compile_context>
chip_gen: v7x
topology: tpu7x:2x2x1
jax: 0.10.2.dev20260603
libtpu: 0.0.44.dev20260713+nightly
codegen_flags: <defaults>
</compile_context>

<pallas_src>
import functools

import jax
from jax import lax
from jax.experimental import pallas as pl
from jax.experimental.pallas import tpu as pltpu
from jax.experimental.pallas import tpu_sc as plsc

NC = 2
NS = 16
NW = NC * NS


def _make_sc_kernel(seq_len, b_sz, emb, dtype):
    rows_per_w = seq_len // NW
    chunk_rows = [64, 56, 8]
    chunk_off = [0, 64, 120]
    buf_off = [0, 64, 0]
    assert sum(chunk_rows) == rows_per_w
    mesh = plsc.VectorSubcoreMesh(core_axis_name="c", subcore_axis_name="s")

    @functools.partial(
        pl.kernel,
        out_type=jax.ShapeDtypeStruct((seq_len, b_sz, emb), dtype),
        mesh=mesh,
        scratch_types=[
            pltpu.VMEM((120, emb), dtype),
            pltpu.SemaphoreType.DMA,
            pltpu.SemaphoreType.DMA,
            pltpu.SemaphoreType.DMA,
        ],
    )
    def sc_kernel(w_hbm, out_hbm, buf, rsem, wsem, w0sem):
        wid = lax.axis_index("s") * NC + lax.axis_index("c")
        base = wid * rows_per_w

        def read(c):
            return pltpu.async_copy(
                w_hbm.at[pl.ds(base + chunk_off[c], chunk_rows[c])],
                buf.at[pl.ds(buf_off[c], chunk_rows[c])],
                rsem,
            )

        def writes(c, sem):
            return [
                pltpu.async_copy(
                    buf.at[pl.ds(buf_off[c], chunk_rows[c])],
                    out_hbm.at[pl.ds(base + chunk_off[c], chunk_rows[c]), b],
                    sem,
                )
                for b in range(b_sz)
            ]

        rds = {0: read(0), 1: read(1)}
        rds[0].wait()
        w0 = writes(0, w0sem)
        rds[1].wait()
        w1 = writes(1, wsem)
        for d in w0:
            d.wait()
        rds[2] = read(2)
        rds[2].wait()
        w2 = writes(2, wsem)
        for d in w1 + w2:
            d.wait()

    return sc_kernel


def kernel(inputs, W):
    seq_len, b_sz = inputs.shape
    emb = W.shape[1]
    return _make_sc_kernel(seq_len, b_sz, emb, W.dtype)(W[:seq_len])

# --- scband reference (transcript-rebuilt; emitter-appended) ---
"""Pipeline reference for scband-learned-positional-embedding-11424613007970 (READ-ONLY COPY).

The authoritative reference and input builder live on the scoring server;
editing this copy changes nothing except your own understanding.
"""

import jax, jax.numpy as jnp
import numpy as np

EMBEDDING_DIM = 1024
INIT_SIZE = 4096
SEQ_LEN = 4096
B_SZ = 4

def setup_inputs(seed: int = 0) -> dict:
    key = jax.random.key(seed)
    k1, k2 = jax.random.split(key)
    inputs = jax.random.randint(k1, (SEQ_LEN, B_SZ), 0, 1000, dtype=jnp.int64) if jax.config.jax_enable_x64 else jax.random.randint(k1, (SEQ_LEN, B_SZ), 0, 1000, dtype=jnp.int32)
    # Learned positional embedding table, init std=0.02 as in the torch module
    W = jax.random.normal(k2, (INIT_SIZE, EMBEDDING_DIM), dtype=jnp.float32) * 0.02
    return {"inputs": inputs, "W": W}

def reference(inputs, W):
    # Input is expected to be of size [seq_len x b_sz]; only its shape is used.
    seq_len, b_sz = inputs.shape
    offset = 0
    positions = offset + jnp.arange(seq_len)
    gathered = jnp.take(W, positions, axis=0)  # [seq_len, embedding_dim]
    res = jnp.broadcast_to(gathered[:, None, :], (seq_len, b_sz, W.shape[1]))
    return res

if __name__ == "__main__":
    import jax
    _d = setup_inputs()
    print(jax.jit(kernel)(*tuple(_d.values())))

</pallas_src>

<mosaic_0001>
#map = affine_map<(d0, d1) -> (0, 0)>
#map1 = affine_map<(d0, d1) -> (0, 0, 0)>
module attributes {stable_mosaic.version = 14 : i64} {
  func.func @sc_kernel(%arg0: i32, %arg1: i32, %arg2: memref<4096x1024xf32, #tpu.memory_space<hbm>>, %arg3: memref<4096x4x1024xf32, #tpu.memory_space<hbm>>, %arg4: memref<120x1024xf32, #tpu.memory_space<vmem>>, %arg5: memref<!tpu.dma_semaphore, #tpu.memory_space<semaphore_mem>>, %arg6: memref<!tpu.dma_semaphore, #tpu.memory_space<semaphore_mem>>, %arg7: memref<!tpu.dma_semaphore, #tpu.memory_space<semaphore_mem>>) attributes {dimension_semantics = [#tpu.dimension_semantics<core_parallel>, #tpu.dimension_semantics<subcore_parallel>], iteration_bounds = array<i64: 2, 16>, scalar_prefetch = 0 : i64, scratch_operands = 4 : i64, tpu.core_type = #tpu.core_type<sc_vector_subcore>, window_params = [{transform_indices = #map}, {transform_indices = #map1}]} {
    %mul3A = arith.constant 2 : i32
    %mul3A_0 = arith.muli %arg1, %mul3A : i32
    %add3A = arith.addi %mul3A_0, %arg0 : i32
    %mul3A_1 = arith.constant 128 : i32
    %mul3A_2 = arith.muli %add3A, %mul3A_1 : i32
    %add3A_3 = arith.constant 0 : i32
    %add3A_4 = arith.addi %mul3A_2, %add3A_3 : i32
    %dma_start3A = arith.constant 0 : i32
    %dma_start3A_5 = arith.constant 0 : i32
    %dma_start3A_6 = tpu.memref_slice %arg4[%dma_start3A, %dma_start3A_5] : memref<120x1024xf32, #tpu.memory_space<vmem>> -> memref<64x1024xf32, #tpu.memory_space<vmem>>
    %dma_start3A_7 = arith.constant 0 : i32
    %dma_start3A_8 = tpu.memref_slice %arg2[%add3A_4, %dma_start3A_7] : memref<4096x1024xf32, #tpu.memory_space<hbm>> -> memref<64x1024xf32, #tpu.memory_space<hbm>>
    %dma_start3A_9 = arith.constant 0 : i32
    %dma_start3A_10 = arith.constant 0 : i32
    %dma_start3A_11 = tpu.memref_slice %arg4[%dma_start3A_9, %dma_start3A_10] : memref<120x1024xf32, #tpu.memory_space<vmem>> -> memref<64x1024xf32, #tpu.memory_space<vmem>>
    %dma_start3A_12 = arith.constant 0 : i32
    %dma_start3A_13 = tpu.memref_slice %arg2[%add3A_4, %dma_start3A_12] : memref<4096x1024xf32, #tpu.memory_space<hbm>> -> memref<64x1024xf32, #tpu.memory_space<hbm>>
    tpu.enqueue_dma source(%dma_start3A_13 : memref<64x1024xf32, #tpu.memory_space<hbm>>) target(%dma_start3A_11 : memref<64x1024xf32, #tpu.memory_space<vmem>>) target_semaphore(%arg5 : memref<!tpu.dma_semaphore, #tpu.memory_space<semaphore_mem>>)
    %add3A_14 = arith.constant 64 : i32
    %add3A_15 = arith.addi %mul3A_2, %add3A_14 : i32
    %dma_start3A_16 = arith.constant 64 : i32
    %dma_start3A_17 = arith.constant 0 : i32
    %dma_start3A_18 = tpu.memref_slice %arg4[%dma_start3A_16, %dma_start3A_17] : memref<120x1024xf32, #tpu.memory_space<vmem>> -> memref<56x1024xf32, #tpu.memory_space<vmem>>
    %dma_start3A_19 = arith.constant 0 : i32
    %dma_start3A_20 = tpu.memref_slice %arg2[%add3A_15, %dma_start3A_19] : memref<4096x1024xf32, #tpu.memory_space<hbm>> -> memref<56x1024xf32, #tpu.memory_space<hbm>>
    %dma_start3A_21 = arith.constant 64 : i32
    %dma_start3A_22 = arith.constant 0 : i32
    %dma_start3A_23 = tpu.memref_slice %arg4[%dma_start3A_21, %dma_start3A_22] : memref<120x1024xf32, #tpu.memory_space<vmem>> -> memref<56x1024xf32, #tpu.memory_space<vmem>>
    %dma_start3A_24 = arith.constant 0 : i32
    %dma_start3A_25 = tpu.memref_slice %arg2[%add3A_15, %dma_start3A_24] : memref<4096x1024xf32, #tpu.memory_space<hbm>> -> memref<56x1024xf32, #tpu.memory_space<hbm>>
    tpu.enqueue_dma source(%dma_start3A_25 : memref<56x1024xf32, #tpu.memory_space<hbm>>) target(%dma_start3A_23 : memref<56x1024xf32, #tpu.memory_space<vmem>>) target_semaphore(%arg5 : memref<!tpu.dma_semaphore, #tpu.memory_space<semaphore_mem>>)
    %dma_wait3A = arith.constant 0 : i32
    %dma_wait3A_26 = arith.constant 0 : i32
    %dma_wait3A_27 = tpu.memref_slice %arg4[%dma_wait3A, %dma_wait3A_26] : memref<120x1024xf32, #tpu.memory_space<vmem>> -> memref<64x1024xf32, #tpu.memory_space<vmem>>
    %dma_wait3A_28 = arith.constant 0 : i32
    %dma_wait3A_29 = tpu.memref_slice %arg2[%add3A_4, %dma_wait3A_28] : memref<4096x1024xf32, #tpu.memory_space<hbm>> -> memref<64x1024xf32, #tpu.memory_space<hbm>>
    %dma_wait3A_30 = arith.constant 0 : i32
    %dma_wait3A_31 = arith.constant 0 : i32
    %dma_wait3A_32 = tpu.memref_slice %arg4[%dma_wait3A_30, %dma_wait3A_31] : memref<120x1024xf32, #tpu.memory_space<vmem>> -> memref<64x1024xf32, #tpu.memory_space<vmem>>
    %dma_wait3A_33 = arith.constant 0 : i32
    %dma_wait3A_34 = tpu.memref_slice %arg2[%add3A_4, %dma_wait3A_33] : memref<4096x1024xf32, #tpu.memory_space<hbm>> -> memref<64x1024xf32, #tpu.memory_space<hbm>>
    tpu.wait_dma2 semaphore(%arg5 : memref<!tpu.dma_semaphore, #tpu.memory_space<semaphore_mem>>) src(%dma_wait3A_34 : memref<64x1024xf32, #tpu.memory_space<hbm>>) dst(%dma_wait3A_32 : memref<64x1024xf32, #tpu.memory_space<vmem>>)
    %add3A_35 = arith.constant 0 : i32
    %add3A_36 = arith.addi %mul3A_2, %add3A_35 : i32
    %dma_start3A_37 = arith.constant 0 : i32
    %dma_start3A_38 = arith.constant 0 : i32
    %dma_start3A_39 = arith.constant 0 : i32
    %dma_start3A_40 = tpu.memref_slice %arg4[%dma_start3A_38, %dma_start3A_39] : memref<120x1024xf32, #tpu.memory_space<vmem>> -> memref<64x1024xf32, #tpu.memory_space<vmem>>
    %dma_start3A_41 = arith.constant 0 : i32
    %dma_start3A_42 = tpu.memref_slice %arg3[%add3A_36, %dma_start3A_37, %dma_start3A_41] : memref<4096x4x1024xf32, #tpu.memory_space<hbm>> -> memref<64x1x1024xf32, #tpu.memory_space<hbm>>
    %dma_start3A_43 = tpu.memref_squeeze %dma_start3A_42 : memref<64x1x1024xf32, #tpu.memory_space<hbm>> -> memref<64x1024xf32, #tpu.memory_space<hbm>>
    %dma_start3A_44 = arith.constant 0 : i32
    %dma_start3A_45 = tpu.memref_slice %arg3[%add3A_36, %dma_start3A_37, %dma_start3A_44] : memref<4096x4x1024xf32, #tpu.memory_space<hbm>> -> memref<64x1x1024xf32, #tpu.memory_space<hbm>>
    %dma_start3A_46 = tpu.memref_squeeze %dma_start3A_45 : memref<64x1x1024xf32, #tpu.memory_space<hbm>> -> memref<64x1024xf32, #tpu.memory_space<hbm>>
    %dma_start3A_47 = arith.constant 0 : i32
    %dma_start3A_48 = arith.constant 0 : i32
    %dma_start3A_49 = tpu.memref_slice %arg4[%dma_start3A_47, %dma_start3A_48] : memref<120x1024xf32, #tpu.memory_space<vmem>> -> memref<64x1024xf32, #tpu.memory_space<vmem>>
    tpu.enqueue_dma source(%dma_start3A_49 : memref<64x1024xf32, #tpu.memory_space<vmem>>) target(%dma_start3A_46 : memref<64x1024xf32, #tpu.memory_space<hbm>>) target_semaphore(%arg7 : memref<!tpu.dma_semaphore, #tpu.memory_space<semaphore_mem>>)
    %add3A_50 = arith.constant 0 : i32
    %add3A_51 = arith.addi %mul3A_2, %add3A_50 : i32
    %dma_start3A_52 = arith.constant 1 : i32
    %dma_start3A_53 = arith.constant 0 : i32
    %dma_start3A_54 = arith.constant 0 : i32
    %dma_start3A_55 = tpu.memref_slice %arg4[%dma_start3A_53, %dma_start3A_54] : memref<120x1024xf32, #tpu.memory_space<vmem>> -> memref<64x1024xf32, #tpu.memory_space<vmem>>
    %dma_start3A_56 = arith.constant 0 : i32
    %dma_start3A_57 = tpu.memref_slice %arg3[%add3A_51, %dma_start3A_52, %dma_start3A_56] : memref<4096x4x1024xf32, #tpu.memory_space<hbm>> -> memref<64x1x1024xf32, #tpu.memory_space<hbm>>
    %dma_start3A_58 = tpu.memref_squeeze %dma_start3A_57 : memref<64x1x1024xf32, #tpu.memory_space<hbm>> -> memref<64x1024xf32, #tpu.memory_space<hbm>>
    %dma_start3A_59 = arith.constant 0 : i32
    %dma_start3A_60 = tpu.memref_slice %arg3[%add3A_51, %dma_start3A_52, %dma_start3A_59] : memref<4096x4x1024xf32, #tpu.memory_space<hbm>> -> memref<64x1x1024xf32, #tpu.memory_space<hbm>>
    %dma_start3A_61 = tpu.memref_squeeze %dma_start3A_60 : memref<64x1x1024xf32, #tpu.memory_space<hbm>> -> memref<64x1024xf32, #tpu.memory_space<hbm>>
    %dma_start3A_62 = arith.constant 0 : i32
    %dma_start3A_63 = arith.constant 0 : i32
    %dma_start3A_64 = tpu.memref_slice %arg4[%dma_start3A_62, %dma_start3A_63] : memref<120x1024xf32, #tpu.memory_space<vmem>> -> memref<64x1024xf32, #tpu.memory_space<vmem>>
    tpu.enqueue_dma source(%dma_start3A_64 : memref<64x1024xf32, #tpu.memory_space<vmem>>) target(%dma_start3A_61 : memref<64x1024xf32, #tpu.memory_space<hbm>>) target_semaphore(%arg7 : memref<!tpu.dma_semaphore, #tpu.memory_space<semaphore_mem>>)
    %add3A_65 = arith.constant 0 : i32
    %add3A_66 = arith.addi %mul3A_2, %add3A_65 : i32
    %dma_start3A_67 = arith.constant 2 : i32
    %dma_start3A_68 = arith.constant 0 : i32
    %dma_start3A_69 = arith.constant 0 : i32
    %dma_start3A_70 = tpu.memref_slice %arg4[%dma_start3A_68, %dma_start3A_69] : memref<120x1024xf32, #tpu.memory_space<vmem>> -> memref<64x1024xf32, #tpu.memory_space<vmem>>
    %dma_start3A_71 = arith.constant 0 : i32
    %dma_start3A_72 = tpu.memref_slice %arg3[%add3A_66, %dma_start3A_67, %dma_start3A_71] : memref<4096x4x1024xf32, #tpu.memory_space<hbm>> -> memref<64x1x1024xf32, #tpu.memory_space<hbm>>
    %dma_start3A_73 = tpu.memref_squeeze %dma_start3A_72 : memref<64x1x1024xf32, #tpu.memory_space<hbm>> -> memref<64x1024xf32, #tpu.memory_space<hbm>>
    %dma_start3A_74 = arith.constant 0 : i32
    %dma_start3A_75 = tpu.memref_slice %arg3[%add3A_66, %dma_start3A_67, %dma_start3A_74] : memref<4096x4x1024xf32, #tpu.memory_space<hbm>> -> memref<64x1x1024xf32, #tpu.memory_space<hbm>>
    %dma_start3A_76 = tpu.memref_squeeze %dma_start3A_75 : memref<64x1x1024xf32, #tpu.memory_space<hbm>> -> memref<64x1024xf32, #tpu.memory_space<hbm>>
    %dma_start3A_77 = arith.constant 0 : i32
    %dma_start3A_78 = arith.constant 0 : i32
    %dma_start3A_79 = tpu.memref_slice %arg4[%dma_start3A_77, %dma_start3A_78] : memref<120x1024xf32, #tpu.memory_space<vmem>> -> memref<64x1024xf32, #tpu.memory_space<vmem>>
    tpu.enqueue_dma source(%dma_start3A_79 : memref<64x1024xf32, #tpu.memory_space<vmem>>) target(%dma_start3A_76 : memref<64x1024xf32, #tpu.memory_space<hbm>>) target_semaphore(%arg7 : memref<!tpu.dma_semaphore, #tpu.memory_space<semaphore_mem>>)
    %add3A_80 = arith.constant 0 : i32
    %add3A_81 = arith.addi %mul3A_2, %add3A_80 : i32
    %dma_start3A_82 = arith.constant 3 : i32
    %dma_start3A_83 = arith.constant 0 : i32
    %dma_start3A_84 = arith.constant 0 : i32
    %dma_start3A_85 = tpu.memref_slice %arg4[%dma_start3A_83, %dma_start3A_84] : memref<120x1024xf32, #tpu.memory_space<vmem>> -> memref<64x1024xf32, #tpu.memory_space<vmem>>
    %dma_start3A_86 = arith.constant 0 : i32
    %dma_start3A_87 = tpu.memref_slice %arg3[%add3A_81, %dma_start3A_82, %dma_start3A_86] : memref<4096x4x1024xf32, #tpu.memory_space<hbm>> -> memref<64x1x1024xf32, #tpu.memory_space<hbm>>
    %dma_start3A_88 = tpu.memref_squeeze %dma_start3A_87 : memref<64x1x1024xf32, #tpu.memory_space<hbm>> -> memref<64x1024xf32, #tpu.memory_space<hbm>>
    %dma_start3A_89 = arith.constant 0 : i32
    %dma_start3A_90 = tpu.memref_slice %arg3[%add3A_81, %dma_start3A_82, %dma_start3A_89] : memref<4096x4x1024xf32, #tpu.memory_space<hbm>> -> memref<64x1x1024xf32, #tpu.memory_space<hbm>>
    %dma_start3A_91 = tpu.memref_squeeze %dma_start3A_90 : memref<64x1x1024xf32, #tpu.memory_space<hbm>> -> memref<64x1024xf32, #tpu.memory_space<hbm>>
    %dma_start3A_92 = arith.constant 0 : i32
    %dma_start3A_93 = arith.constant 0 : i32
    %dma_start3A_94 = tpu.memref_slice %arg4[%dma_start3A_92, %dma_start3A_93] : memref<120x1024xf32, #tpu.memory_space<vmem>> -> memref<64x1024xf32, #tpu.memory_space<vmem>>
    tpu.enqueue_dma source(%dma_start3A_94 : memref<64x1024xf32, #tpu.memory_space<vmem>>) target(%dma_start3A_91 : memref<64x1024xf32, #tpu.memory_space<hbm>>) target_semaphore(%arg7 : memref<!tpu.dma_semaphore, #tpu.memory_space<semaphore_mem>>)
    %dma_wait3A_95 = arith.constant 64 : i32
    %dma_wait3A_96 = arith.constant 0 : i32
    %dma_wait3A_97 = tpu.memref_slice %arg4[%dma_wait3A_95, %dma_wait3A_96] : memref<120x1024xf32, #tpu.memory_space<vmem>> -> memref<56x1024xf32, #tpu.memory_space<vmem>>
    %dma_wait3A_98 = arith.constant 0 : i32
    %dma_wait3A_99 = tpu.memref_slice %arg2[%add3A_15, %dma_wait3A_98] : memref<4096x1024xf32, #tpu.memory_space<hbm>> -> memref<56x1024xf32, #tpu.memory_space<hbm>>
    %dma_wait3A_100 = arith.constant 64 : i32
    %dma_wait3A_101 = arith.constant 0 : i32
    %dma_wait3A_102 = tpu.memref_slice %arg4[%dma_wait3A_100, %dma_wait3A_101] : memref<120x1024xf32, #tpu.memory_space<vmem>> -> memref<56x1024xf32, #tpu.memory_space<vmem>>
    %dma_wait3A_103 = arith.constant 0 : i32
    %dma_wait3A_104 = tpu.memref_slice %arg2[%add3A_15, %dma_wait3A_103] : memref<4096x1024xf32, #tpu.memory_space<hbm>> -> memref<56x1024xf32, #tpu.memory_space<hbm>>
    tpu.wait_dma2 semaphore(%arg5 : memref<!tpu.dma_semaphore, #tpu.memory_space<semaphore_mem>>) src(%dma_wait3A_104 : memref<56x1024xf32, #tpu.memory_space<hbm>>) dst(%dma_wait3A_102 : memref<56x1024xf32, #tpu.memory_space<vmem>>)
    %add3A_105 = arith.constant 64 : i32
    %add3A_106 = arith.addi %mul3A_2, %add3A_105 : i32
    %dma_start3A_107 = arith.constant 0 : i32
    %dma_start3A_108 = arith.constant 64 : i32
    %dma_start3A_109 = arith.constant 0 : i32
    %dma_start3A_110 = tpu.memref_slice %arg4[%dma_start3A_108, %dma_start3A_109] : memref<120x1024xf32, #tpu.memory_space<vmem>> -> memref<56x1024xf32, #tpu.memory_space<vmem>>
    %dma_start3A_111 = arith.constant 0 : i32
    %dma_start3A_112 = tpu.memref_slice %arg3[%add3A_106, %dma_start3A_107, %dma_start3A_111] : memref<4096x4x1024xf32, #tpu.memory_space<hbm>> -> memref<56x1x1024xf32, #tpu.memory_space<hbm>>
    %dma_start3A_113 = tpu.memref_squeeze %dma_start3A_112 : memref<56x1x1024xf32, #tpu.memory_space<hbm>> -> memref<56x1024xf32, #tpu.memory_space<hbm>>
    %dma_start3A_114 = arith.constant 0 : i32
    %dma_start3A_115 = tpu.memref_slice %arg3[%add3A_106, %dma_start3A_107, %dma_start3A_114] : memref<4096x4x1024xf32, #tpu.memory_space<hbm>> -> memref<56x1x1024xf32, #tpu.memory_space<hbm>>
    %dma_start3A_116 = tpu.memref_squeeze %dma_start3A_115 : memref<56x1x1024xf32, #tpu.memory_space<hbm>> -> memref<56x1024xf32, #tpu.memory_space<hbm>>
    %dma_start3A_117 = arith.constant 64 : i32
    %dma_start3A_118 = arith.constant 0 : i32
    %dma_start3A_119 = tpu.memref_slice %arg4[%dma_start3A_117, %dma_start3A_118] : memref<120x1024xf32, #tpu.memory_space<vmem>> -> memref<56x1024xf32, #tpu.memory_space<vmem>>
    tpu.enqueue_dma source(%dma_start3A_119 : memref<56x1024xf32, #tpu.memory_space<vmem>>) target(%dma_start3A_116 : memref<56x1024xf32, #tpu.memory_space<hbm>>) target_semaphore(%arg6 : memref<!tpu.dma_semaphore, #tpu.memory_space<semaphore_mem>>)
    %add3A_120 = arith.constant 64 : i32
    %add3A_121 = arith.addi %mul3A_2, %add3A_120 : i32
    %dma_start3A_122 = arith.constant 1 : i32
    %dma_start3A_123 = arith.constant 64 : i32
    %dma_start3A_124 = arith.constant 0 : i32
    %dma_start3A_125 = tpu.memref_slice %arg4[%dma_start3A_123, %dma_start3A_124] : memref<120x1024xf32, #tpu.memory_space<vmem>> -> memref<56x1024xf32, #tpu.memory_space<vmem>>
    %dma_start3A_126 = arith.constant 0 : i32
    %dma_start3A_127 = tpu.memref_slice %arg3[%add3A_121, %dma_start3A_122, %dma_start3A_126] : memref<4096x4x1024xf32, #tpu.memory_space<hbm>> -> memref<56x1x1024xf32, #tpu.memory_space<hbm>>
    %dma_start3A_128 = tpu.memref_squeeze %dma_start3A_127 : memref<56x1x1024xf32, #tpu.memory_space<hbm>> -> memref<56x1024xf32, #tpu.memory_space<hbm>>
    %dma_start3A_129 = arith.constant 0 : i32
    %dma_start3A_130 = tpu.memref_slice %arg3[%add3A_121, %dma_start3A_122, %dma_start3A_129] : memref<4096x4x1024xf32, #tpu.memory_space<hbm>> -> memref<56x1x1024xf32, #tpu.memory_space<hbm>>
    %dma_start3A_131 = tpu.memref_squeeze %dma_start3A_130 : memref<56x1x1024xf32, #tpu.memory_space<hbm>> -> memref<56x1024xf32, #tpu.memory_space<hbm>>
    %dma_start3A_132 = arith.constant 64 : i32
    %dma_start3A_133 = arith.constant 0 : i32
    %dma_start3A_134 = tpu.memref_slice %arg4[%dma_start3A_132, %dma_start3A_133] : memref<120x1024xf32, #tpu.memory_space<vmem>> -> memref<56x1024xf32, #tpu.memory_space<vmem>>
    tpu.enqueue_dma source(%dma_start3A_134 : memref<56x1024xf32, #tpu.memory_space<vmem>>) target(%dma_start3A_131 : memref<56x1024xf32, #tpu.memory_space<hbm>>) target_semaphore(%arg6 : memref<!tpu.dma_semaphore, #tpu.memory_space<semaphore_mem>>)
    %add3A_135 = arith.constant 64 : i32
    %add3A_136 = arith.addi %mul3A_2, %add3A_135 : i32
    %dma_start3A_137 = arith.constant 2 : i32
    %dma_start3A_138 = arith.constant 64 : i32
    %dma_start3A_139 = arith.constant 0 : i32
    %dma_start3A_140 = tpu.memref_slice %arg4[%dma_start3A_138, %dma_start3A_139] : memref<120x1024xf32, #tpu.memory_space<vmem>> -> memref<56x1024xf32, #tpu.memory_space<vmem>>
    %dma_start3A_141 = arith.constant 0 : i32
    %dma_start3A_142 = tpu.memref_slice %arg3[%add3A_136, %dma_start3A_137, %dma_start3A_141] : memref<4096x4x1024xf32, #tpu.memory_space<hbm>> -> memref<56x1x1024xf32, #tpu.memory_space<hbm>>
    %dma_start3A_143 = tpu.memref_squeeze %dma_start3A_142 : memref<56x1x1024xf32, #tpu.memory_space<hbm>> -> memref<56x1024xf32, #tpu.memory_space<hbm>>
    %dma_start3A_144 = arith.constant 0 : i32
    %dma_start3A_145 = tpu.memref_slice %arg3[%add3A_136, %dma_start3A_137, %dma_start3A_144] : memref<4096x4x1024xf32, #tpu.memory_space<hbm>> -> memref<56x1x1024xf32, #tpu.memory_space<hbm>>
    %dma_start3A_146 = tpu.memref_squeeze %dma_start3A_145 : memref<56x1x1024xf32, #tpu.memory_space<hbm>> -> memref<56x1024xf32, #tpu.memory_space<hbm>>
    %dma_start3A_147 = arith.constant 64 : i32
    %dma_start3A_148 = arith.constant 0 : i32
    %dma_start3A_149 = tpu.memref_slice %arg4[%dma_start3A_147, %dma_start3A_148] : memref<120x1024xf32, #tpu.memory_space<vmem>> -> memref<56x1024xf32, #tpu.memory_space<vmem>>
    tpu.enqueue_dma source(%dma_start3A_149 : memref<56x1024xf32, #tpu.memory_space<vmem>>) target(%dma_start3A_146 : memref<56x1024xf32, #tpu.memory_space<hbm>>) target_semaphore(%arg6 : memref<!tpu.dma_semaphore, #tpu.memory_space<semaphore_mem>>)
    %add3A_150 = arith.constant 64 : i32
    %add3A_151 = arith.addi %mul3A_2, %add3A_150 : i32
    %dma_start3A_152 = arith.constant 3 : i32
    %dma_start3A_153 = arith.constant 64 : i32
    %dma_start3A_154 = arith.constant 0 : i32
    %dma_start3A_155 = tpu.memref_slice %arg4[%dma_start3A_153, %dma_start3A_154] : memref<120x1024xf32, #tpu.memory_space<vmem>> -> memref<56x1024xf32, #tpu.memory_space<vmem>>
    %dma_start3A_156 = arith.constant 0 : i32
    %dma_start3A_157 = tpu.memref_slice %arg3[%add3A_151, %dma_start3A_152, %dma_start3A_156] : memref<4096x4x1024xf32, #tpu.memory_space<hbm>> -> memref<56x1x1024xf32, #tpu.memory_space<hbm>>
    %dma_start3A_158 = tpu.memref_squeeze %dma_start3A_157 : memref<56x1x1024xf32, #tpu.memory_space<hbm>> -> memref<56x1024xf32, #tpu.memory_space<hbm>>
    %dma_start3A_159 = arith.constant 0 : i32
    %dma_start3A_160 = tpu.memref_slice %arg3[%add3A_151, %dma_start3A_152, %dma_start3A_159] : memref<4096x4x1024xf32, #tpu.memory_space<hbm>> -> memref<56x1x1024xf32, #tpu.memory_space<hbm>>
    %dma_start3A_161 = tpu.memref_squeeze %dma_start3A_160 : memref<56x1x1024xf32, #tpu.memory_space<hbm>> -> memref<56x1024xf32, #tpu.memory_space<hbm>>
    %dma_start3A_162 = arith.constant 64 : i32
    %dma_start3A_163 = arith.constant 0 : i32
    %dma_start3A_164 = tpu.memref_slice %arg4[%dma_start3A_162, %dma_start3A_163] : memref<120x1024xf32, #tpu.memory_space<vmem>> -> memref<56x1024xf32, #tpu.memory_space<vmem>>
    tpu.enqueue_dma source(%dma_start3A_164 : memref<56x1024xf32, #tpu.memory_space<vmem>>) target(%dma_start3A_161 : memref<56x1024xf32, #tpu.memory_space<hbm>>) target_semaphore(%arg6 : memref<!tpu.dma_semaphore, #tpu.memory_space<semaphore_mem>>)
    %dma_wait3A_165 = arith.constant 0 : i32
    %dma_wait3A_166 = arith.constant 0 : i32
    %dma_wait3A_167 = arith.constant 0 : i32
    %dma_wait3A_168 = tpu.memref_slice %arg4[%dma_wait3A_166, %dma_wait3A_167] : memref<120x1024xf32, #tpu.memory_space<vmem>> -> memref<64x1024xf32, #tpu.memory_space<vmem>>
    %dma_wait3A_169 = arith.constant 0 : i32
    %dma_wait3A_170 = tpu.memref_slice %arg3[%add3A_36, %dma_wait3A_165, %dma_wait3A_169] : memref<4096x4x1024xf32, #tpu.memory_space<hbm>> -> memref<64x1x1024xf32, #tpu.memory_space<hbm>>
    %dma_wait3A_171 = tpu.memref_squeeze %dma_wait3A_170 : memref<64x1x1024xf32, #tpu.memory_space<hbm>> -> memref<64x1024xf32, #tpu.memory_space<hbm>>
    %dma_wait3A_172 = arith.constant 0 : i32
    %dma_wait3A_173 = tpu.memref_slice %arg3[%add3A_36, %dma_wait3A_165, %dma_wait3A_172] : memref<4096x4x1024xf32, #tpu.memory_space<hbm>> -> memref<64x1x1024xf32, #tpu.memory_space<hbm>>
    %dma_wait3A_174 = tpu.memref_squeeze %dma_wait3A_173 : memref<64x1x1024xf32, #tpu.memory_space<hbm>> -> memref<64x1024xf32, #tpu.memory_space<hbm>>
    %dma_wait3A_175 = arith.constant 0 : i32
    %dma_wait3A_176 = arith.constant 0 : i32
    %dma_wait3A_177 = tpu.memref_slice %arg4[%dma_wait3A_175, %dma_wait3A_176] : memref<120x1024xf32, #tpu.memory_space<vmem>> -> memref<64x1024xf32, #tpu.memory_space<vmem>>
    tpu.wait_dma2 semaphore(%arg7 : memref<!tpu.dma_semaphore, #tpu.memory_space<semaphore_mem>>) src(%dma_wait3A_177 : memref<64x1024xf32, #tpu.memory_space<vmem>>) dst(%dma_wait3A_174 : memref<64x1024xf32, #tpu.memory_space<hbm>>)
    %dma_wait3A_178 = arith.constant 1 : i32
    %dma_wait3A_179 = arith.constant 0 : i32
    %dma_wait3A_180 = arith.constant 0 : i32
    %dma_wait3A_181 = tpu.memref_slice %arg4[%dma_wait3A_179, %dma_wait3A_180] : memref<120x1024xf32, #tpu.memory_space<vmem>> -> memref<64x1024xf32, #tpu.memory_space<vmem>>
    %dma_wait3A_182 = arith.constant 0 : i32
    %dma_wait3A_183 = tpu.memref_slice %arg3[%add3A_51, %dma_wait3A_178, %dma_wait3A_182] : memref<4096x4x1024xf32, #tpu.memory_space<hbm>> -> memref<64x1x1024xf32, #tpu.memory_space<hbm>>
    %dma_wait3A_184 = tpu.memref_squeeze %dma_wait3A_183 : memref<64x1x1024xf32, #tpu.memory_space<hbm>> -> memref<64x1024xf32, #tpu.memory_space<hbm>>
    %dma_wait3A_185 = arith.constant 0 : i32
    %dma_wait3A_186 = tpu.memref_slice %arg3[%add3A_51, %dma_wait3A_178, %dma_wait3A_185] : memref<4096x4x1024xf32, #tpu.memory_space<hbm>> -> memref<64x1x1024xf32, #tpu.memory_space<hbm>>
    %dma_wait3A_187 = tpu.memref_squeeze %dma_wait3A_186 : memref<64x1x1024xf32, #tpu.memory_space<hbm>> -> memref<64x1024xf32, #tpu.memory_space<hbm>>
    %dma_wait3A_188 = arith.constant 0 : i32
    %dma_wait3A_189 = arith.constant 0 : i32
    %dma_wait3A_190 = tpu.memref_slice %arg4[%dma_wait3A_188, %dma_wait3A_189] : memref<120x1024xf32, #tpu.memory_space<vmem>> -> memref<64x1024xf32, #tpu.memory_space<vmem>>
    tpu.wait_dma2 semaphore(%arg7 : memref<!tpu.dma_semaphore, #tpu.memory_space<semaphore_mem>>) src(%dma_wait3A_190 : memref<64x1024xf32, #tpu.memory_space<vmem>>) dst(%dma_wait3A_187 : memref<64x1024xf32, #tpu.memory_space<hbm>>)
    %dma_wait3A_191 = arith.constant 2 : i32
    %dma_wait3A_192 = arith.constant 0 : i32
    %dma_wait3A_193 = arith.constant 0 : i32
    %dma_wait3A_194 = tpu.memref_slice %arg4[%dma_wait3A_192, %dma_wait3A_193] : memref<120x1024xf32, #tpu.memory_space<vmem>> -> memref<64x1024xf32, #tpu.memory_space<vmem>>
    %dma_wait3A_195 = arith.constant 0 : i32
    %dma_wait3A_196 = tpu.memref_slice %arg3[%add3A_66, %dma_wait3A_191, %dma_wait3A_195] : memref<4096x4x1024xf32, #tpu.memory_space<hbm>> -> memref<64x1x1024xf32, #tpu.memory_space<hbm>>
    %dma_wait3A_197 = tpu.memref_squeeze %dma_wait3A_196 : memref<64x1x1024xf32, #tpu.memory_space<hbm>> -> memref<64x1024xf32, #tpu.memory_space<hbm>>
    %dma_wait3A_198 = arith.constant 0 : i32
    %dma_wait3A_199 = tpu.memref_slice %arg3[%add3A_66, %dma_wait3A_191, %dma_wait3A_198] : memref<4096x4x1024xf32, #tpu.memory_space<hbm>> -> memref<64x1x1024xf32, #tpu.memory_space<hbm>>
    %dma_wait3A_200 = tpu.memref_squeeze %dma_wait3A_199 : memref<64x1x1024xf32, #tpu.memory_space<hbm>> -> memref<64x1024xf32, #tpu.memory_space<hbm>>
    %dma_wait3A_201 = arith.constant 0 : i32
    %dma_wait3A_202 = arith.constant 0 : i32
    %dma_wait3A_203 = tpu.memref_slice %arg4[%dma_wait3A_201, %dma_wait3A_202] : memref<120x1024xf32, #tpu.memory_space<vmem>> -> memref<64x1024xf32, #tpu.memory_space<vmem>>
    tpu.wait_dma2 semaphore(%arg7 : memref<!tpu.dma_semaphore, #tpu.memory_space<semaphore_mem>>) src(%dma_wait3A_203 : memref<64x1024xf32, #tpu.memory_space<vmem>>) dst(%dma_wait3A_200 : memref<64x1024xf32, #tpu.memory_space<hbm>>)
    %dma_wait3A_204 = arith.constant 3 : i32
    %dma_wait3A_205 = arith.constant 0 : i32
    %dma_wait3A_206 = arith.constant 0 : i32
    %dma_wait3A_207 = tpu.memref_slice %arg4[%dma_wait3A_205, %dma_wait3A_206] : memref<120x1024xf32, #tpu.memory_space<vmem>> -> memref<64x1024xf32, #tpu.memory_space<vmem>>
    %dma_wait3A_208 = arith.constant 0 : i32
    %dma_wait3A_209 = tpu.memref_slice %arg3[%add3A_81, %dma_wait3A_204, %dma_wait3A_208] : memref<4096x4x1024xf32, #tpu.memory_space<hbm>> -> memref<64x1x1024xf32, #tpu.memory_space<hbm>>
    %dma_wait3A_210 = tpu.memref_squeeze %dma_wait3A_209 : memref<64x1x1024xf32, #tpu.memory_space<hbm>> -> memref<64x1024xf32, #tpu.memory_space<hbm>>
    %dma_wait3A_211 = arith.constant 0 : i32
    %dma_wait3A_212 = tpu.memref_slice %arg3[%add3A_81, %dma_wait3A_204, %dma_wait3A_211] : memref<4096x4x1024xf32, #tpu.memory_space<hbm>> -> memref<64x1x1024xf32, #tpu.memory_space<hbm>>
    %dma_wait3A_213 = tpu.memref_squeeze %dma_wait3A_212 : memref<64x1x1024xf32, #tpu.memory_space<hbm>> -> memref<64x1024xf32, #tpu.memory_space<hbm>>
    %dma_wait3A_214 = arith.constant 0 : i32
    %dma_wait3A_215 = arith.constant 0 : i32
    %dma_wait3A_216 = tpu.memref_slice %arg4[%dma_wait3A_214, %dma_wait3A_215] : memref<120x1024xf32, #tpu.memory_space<vmem>> -> memref<64x1024xf32, #tpu.memory_space<vmem>>
    tpu.wait_dma2 semaphore(%arg7 : memref<!tpu.dma_semaphore, #tpu.memory_space<semaphore_mem>>) src(%dma_wait3A_216 : memref<64x1024xf32, #tpu.memory_space<vmem>>) dst(%dma_wait3A_213 : memref<64x1024xf32, #tpu.memory_space<hbm>>)
    %add3A_217 = arith.constant 120 : i32
    %add3A_218 = arith.addi %mul3A_2, %add3A_217 : i32
    %dma_start3A_219 = arith.constant 0 : i32
    %dma_start3A_220 = arith.constant 0 : i32
    %dma_start3A_221 = tpu.memref_slice %arg4[%dma_start3A_219, %dma_start3A_220] : memref<120x1024xf32, #tpu.memory_space<vmem>> -> memref<8x1024xf32, #tpu.memory_space<vmem>>
    %dma_start3A_222 = arith.constant 0 : i32
    %dma_start3A_223 = tpu.memref_slice %arg2[%add3A_218, %dma_start3A_222] : memref<4096x1024xf32, #tpu.memory_space<hbm>> -> memref<8x1024xf32, #tpu.memory_space<hbm>>
    %dma_start3A_224 = arith.constant 0 : i32
    %dma_start3A_225 = arith.constant 0 : i32
    %dma_start3A_226 = tpu.memref_slice %arg4[%dma_start3A_224, %dma_start3A_225] : memref<120x1024xf32, #tpu.memory_space<vmem>> -> memref<8x1024xf32, #tpu.memory_space<vmem>>
    %dma_start3A_227 = arith.constant 0 : i32
    %dma_start3A_228 = tpu.memref_slice %arg2[%add3A_218, %dma_start3A_227] : memref<4096x1024xf32, #tpu.memory_space<hbm>> -> memref<8x1024xf32, #tpu.memory_space<hbm>>
    tpu.enqueue_dma source(%dma_start3A_228 : memref<8x1024xf32, #tpu.memory_space<hbm>>) target(%dma_start3A_226 : memref<8x1024xf32, #tpu.memory_space<vmem>>) target_semaphore(%arg5 : memref<!tpu.dma_semaphore, #tpu.memory_space<semaphore_mem>>)
    %dma_wait3A_229 = arith.constant 0 : i32
    %dma_wait3A_230 = arith.constant 0 : i32
    %dma_wait3A_231 = tpu.memref_slice %arg4[%dma_wait3A_229, %dma_wait3A_230] : memref<120x1024xf32, #tpu.memory_space<vmem>> -> memref<8x1024xf32, #tpu.memory_space<vmem>>
    %dma_wait3A_232 = arith.constant 0 : i32
    %dma_wait3A_233 = tpu.memref_slice %arg2[%add3A_218, %dma_wait3A_232] : memref<4096x1024xf32, #tpu.memory_space<hbm>> -> memref<8x1024xf32, #tpu.memory_space<hbm>>
    %dma_wait3A_234 = arith.constant 0 : i32
    %dma_wait3A_235 = arith.constant 0 : i32
    %dma_wait3A_236 = tpu.memref_slice %arg4[%dma_wait3A_234, %dma_wait3A_235] : memref<120x1024xf32, #tpu.memory_space<vmem>> -> memref<8x1024xf32, #tpu.memory_space<vmem>>
    %dma_wait3A_237 = arith.constant 0 : i32
    %dma_wait3A_238 = tpu.memref_slice %arg2[%add3A_218, %dma_wait3A_237] : memref<4096x1024xf32, #tpu.memory_space<hbm>> -> memref<8x1024xf32, #tpu.memory_space<hbm>>
    tpu.wait_dma2 semaphore(%arg5 : memref<!tpu.dma_semaphore, #tpu.memory_space<semaphore_mem>>) src(%dma_wait3A_238 : memref<8x1024xf32, #tpu.memory_space<hbm>>) dst(%dma_wait3A_236 : memref<8x1024xf32, #tpu.memory_space<vmem>>)
    %add3A_239 = arith.constant 120 : i32
    %add3A_240 = arith.addi %mul3A_2, %add3A_239 : i32
    %dma_start3A_241 = arith.constant 0 : i32
    %dma_start3A_242 = arith.constant 0 : i32
    %dma_start3A_243 = arith.constant 0 : i32
    %dma_start3A_244 = tpu.memref_slice %arg4[%dma_start3A_242, %dma_start3A_243] : memref<120x1024xf32, #tpu.memory_space<vmem>> -> memref<8x1024xf32, #tpu.memory_space<vmem>>
    %dma_start3A_245 = arith.constant 0 : i32
    %dma_start3A_246 = tpu.memref_slice %arg3[%add3A_240, %dma_start3A_241, %dma_start3A_245] : memref<4096x4x1024xf32, #tpu.memory_space<hbm>> -> memref<8x1x1024xf32, #tpu.memory_space<hbm>>
    %dma_start3A_247 = tpu.memref_squeeze %dma_start3A_246 : memref<8x1x1024xf32, #tpu.memory_space<hbm>> -> memref<8x1024xf32, #tpu.memory_space<hbm>>
    %dma_start3A_248 = arith.constant 0 : i32
    %dma_start3A_249 = tpu.memref_slice %arg3[%add3A_240, %dma_start3A_241, %dma_start3A_248] : memref<4096x4x1024xf32, #tpu.memory_space<hbm>> -> memref<8x1x1024xf32, #tpu.memory_space<hbm>>
    %dma_start3A_250 = tpu.memref_squeeze %dma_start3A_249 : memref<8x1x1024xf32, #tpu.memory_space<hbm>> -> memref<8x1024xf32, #tpu.memory_space<hbm>>
    %dma_start3A_251 = arith.constant 0 : i32
    %dma_start3A_252 = arith.constant 0 : i32
    %dma_start3A_253 = tpu.memref_slice %arg4[%dma_start3A_251, %dma_start3A_252] : memref<120x1024xf32, #tpu.memory_space<vmem>> -> memref<8x1024xf32, #tpu.memory_space<vmem>>
    tpu.enqueue_dma source(%dma_start3A_253 : memref<8x1024xf32, #tpu.memory_space<vmem>>) target(%dma_start3A_250 : memref<8x1024xf32, #tpu.memory_space<hbm>>) target_semaphore(%arg6 : memref<!tpu.dma_semaphore, #tpu.memory_space<semaphore_mem>>)
    %add3A_254 = arith.constant 120 : i32
    %add3A_255 = arith.addi %mul3A_2, %add3A_254 : i32
    %dma_start3A_256 = arith.constant 1 : i32
    %dma_start3A_257 = arith.constant 0 : i32
    %dma_start3A_258 = arith.constant 0 : i32
    %dma_start3A_259 = tpu.memref_slice %arg4[%dma_start3A_257, %dma_start3A_258] : memref<120x1024xf32, #tpu.memory_space<vmem>> -> memref<8x1024xf32, #tpu.memory_space<vmem>>
    %dma_start3A_260 = arith.constant 0 : i32
    %dma_start3A_261 = tpu.memref_slice %arg3[%add3A_255, %dma_start3A_256, %dma_start3A_260] : memref<4096x4x1024xf32, #tpu.memory_space<hbm>> -> memref<8x1x1024xf32, #tpu.memory_space<hbm>>
    %dma_start3A_262 = tpu.memref_squeeze %dma_start3A_261 : memref<8x1x1024xf32, #tpu.memory_space<hbm>> -> memref<8x1024xf32, #tpu.memory_space<hbm>>
    %dma_start3A_263 = arith.constant 0 : i32
    %dma_start3A_264 = tpu.memref_slice %arg3[%add3A_255, %dma_start3A_256, %dma_start3A_263] : memref<4096x4x1024xf32, #tpu.memory_space<hbm>> -> memref<8x1x1024xf32, #tpu.memory_space<hbm>>
    %dma_start3A_265 = tpu.memref_squeeze %dma_start3A_264 : memref<8x1x1024xf32, #tpu.memory_space<hbm>> -> memref<8x1024xf32, #tpu.memory_space<hbm>>
    %dma_start3A_266 = arith.constant 0 : i32
    %dma_start3A_267 = arith.constant 0 : i32
    %dma_start3A_268 = tpu.memref_slice %arg4[%dma_start3A_266, %dma_start3A_267] : memref<120x1024xf32, #tpu.memory_space<vmem>> -> memref<8x1024xf32, #tpu.memory_space<vmem>>
    tpu.enqueue_dma source(%dma_start3A_268 : memref<8x1024xf32, #tpu.memory_space<vmem>>) target(%dma_start3A_265 : memref<8x1024xf32, #tpu.memory_space<hbm>>) target_semaphore(%arg6 : memref<!tpu.dma_semaphore, #tpu.memory_space<semaphore_mem>>)
    %add3A_269 = arith.constant 120 : i32
    %add3A_270 = arith.addi %mul3A_2, %add3A_269 : i32
    %dma_start3A_271 = arith.constant 2 : i32
    %dma_start3A_272 = arith.constant 0 : i32
    %dma_start3A_273 = arith.constant 0 : i32
    %dma_start3A_274 = tpu.memref_slice %arg4[%dma_start3A_272, %dma_start3A_273] : memref<120x1024xf32, #tpu.memory_space<vmem>> -> memref<8x1024xf32, #tpu.memory_space<vmem>>
    %dma_start3A_275 = arith.constant 0 : i32
    %dma_start3A_276 = tpu.memref_slice %arg3[%add3A_270, %dma_start3A_271, %dma_start3A_275] : memref<4096x4x1024xf32, #tpu.memory_space<hbm>> -> memref<8x1x1024xf32, #tpu.memory_space<hbm>>
    %dma_start3A_277 = tpu.memref_squeeze %dma_start3A_276 : memref<8x1x1024xf32, #tpu.memory_space<hbm>> -> memref<8x1024xf32, #tpu.memory_space<hbm>>
    %dma_start3A_278 = arith.constant 0 : i32
    %dma_start3A_279 = tpu.memref_slice %arg3[%add3A_270, %dma_start3A_271, %dma_start3A_278] : memref<4096x4x1024xf32, #tpu.memory_space<hbm>> -> memref<8x1x1024xf32, #tpu.memory_space<hbm>>
    %dma_start3A_280 = tpu.memref_squeeze %dma_start3A_279 : memref<8x1x1024xf32, #tpu.memory_space<hbm>> -> memref<8x1024xf32, #tpu.memory_space<hbm>>
    %dma_start3A_281 = arith.constant 0 : i32
    %dma_start3A_282 = arith.constant 0 : i32
    %dma_start3A_283 = tpu.memref_slice %arg4[%dma_start3A_281, %dma_start3A_282] : memref<120x1024xf32, #tpu.memory_space<vmem>> -> memref<8x1024xf32, #tpu.memory_space<vmem>>
    tpu.enqueue_dma source(%dma_start3A_283 : memref<8x1024xf32, #tpu.memory_space<vmem>>) target(%dma_start3A_280 : memref<8x1024xf32, #tpu.memory_space<hbm>>) target_semaphore(%arg6 : memref<!tpu.dma_semaphore, #tpu.memory_space<semaphore_mem>>)
    %add3A_284 = arith.constant 120 : i32
    %add3A_285 = arith.addi %mul3A_2, %add3A_284 : i32
    %dma_start3A_286 = arith.constant 3 : i32
    %dma_start3A_287 = arith.constant 0 : i32
    %dma_start3A_288 = arith.constant 0 : i32
    %dma_start3A_289 = tpu.memref_slice %arg4[%dma_start3A_287, %dma_start3A_288] : memref<120x1024xf32, #tpu.memory_space<vmem>> -> memref<8x1024xf32, #tpu.memory_space<vmem>>
    %dma_start3A_290 = arith.constant 0 : i32
    %dma_start3A_291 = tpu.memref_slice %arg3[%add3A_285, %dma_start3A_286, %dma_start3A_290] : memref<4096x4x1024xf32, #tpu.memory_space<hbm>> -> memref<8x1x1024xf32, #tpu.memory_space<hbm>>
    %dma_start3A_292 = tpu.memref_squeeze %dma_start3A_291 : memref<8x1x1024xf32, #tpu.memory_space<hbm>> -> memref<8x1024xf32, #tpu.memory_space<hbm>>
    %dma_start3A_293 = arith.constant 0 : i32
    %dma_start3A_294 = tpu.memref_slice %arg3[%add3A_285, %dma_start3A_286, %dma_start3A_293] : memref<4096x4x1024xf32, #tpu.memory_space<hbm>> -> memref<8x1x1024xf32, #tpu.memory_space<hbm>>
    %dma_start3A_295 = tpu.memref_squeeze %dma_start3A_294 : memref<8x1x1024xf32, #tpu.memory_space<hbm>> -> memref<8x1024xf32, #tpu.memory_space<hbm>>
    %dma_start3A_296 = arith.constant 0 : i32
    %dma_start3A_297 = arith.constant 0 : i32
    %dma_start3A_298 = tpu.memref_slice %arg4[%dma_start3A_296, %dma_start3A_297] : memref<120x1024xf32, #tpu.memory_space<vmem>> -> memref<8x1024xf32, #tpu.memory_space<vmem>>
    tpu.enqueue_dma source(%dma_start3A_298 : memref<8x1024xf32, #tpu.memory_space<vmem>>) target(%dma_start3A_295 : memref<8x1024xf32, #tpu.memory_space<hbm>>) target_semaphore(%arg6 : memref<!tpu.dma_semaphore, #tpu.memory_space<semaphore_mem>>)
    %dma_wait3A_299 = arith.constant 0 : i32
    %dma_wait3A_300 = arith.constant 64 : i32
    %dma_wait3A_301 = arith.constant 0 : i32
    %dma_wait3A_302 = tpu.memref_slice %arg4[%dma_wait3A_300, %dma_wait3A_301] : memref<120x1024xf32, #tpu.memory_space<vmem>> -> memref<56x1024xf32, #tpu.memory_space<vmem>>
    %dma_wait3A_303 = arith.constant 0 : i32
    %dma_wait3A_304 = tpu.memref_slice %arg3[%add3A_106, %dma_wait3A_299, %dma_wait3A_303] : memref<4096x4x1024xf32, #tpu.memory_space<hbm>> -> memref<56x1x1024xf32, #tpu.memory_space<hbm>>
    %dma_wait3A_305 = tpu.memref_squeeze %dma_wait3A_304 : memref<56x1x1024xf32, #tpu.memory_space<hbm>> -> memref<56x1024xf32, #tpu.memory_space<hbm>>
    %dma_wait3A_306 = arith.constant 0 : i32
    %dma_wait3A_307 = tpu.memref_slice %arg3[%add3A_106, %dma_wait3A_299, %dma_wait3A_306] : memref<4096x4x1024xf32, #tpu.memory_space<hbm>> -> memref<56x1x1024xf32, #tpu.memory_space<hbm>>
    %dma_wait3A_308 = tpu.memref_squeeze %dma_wait3A_307 : memref<56x1x1024xf32, #tpu.memory_space<hbm>> -> memref<56x1024xf32, #tpu.memory_space<hbm>>
    %dma_wait3A_309 = arith.constant 64 : i32
    %dma_wait3A_310 = arith.constant 0 : i32
    %dma_wait3A_311 = tpu.memref_slice %arg4[%dma_wait3A_309, %dma_wait3A_310] : memref<120x1024xf32, #tpu.memory_space<vmem>> -> memref<56x1024xf32, #tpu.memory_space<vmem>>
    tpu.wait_dma2 semaphore(%arg6 : memref<!tpu.dma_semaphore, #tpu.memory_space<semaphore_mem>>) src(%dma_wait3A_311 : memref<56x1024xf32, #tpu.memory_space<vmem>>) dst(%dma_wait3A_308 : memref<56x1024xf32, #tpu.memory_space<hbm>>)
    %dma_wait3A_312 = arith.constant 1 : i32
    %dma_wait3A_313 = arith.constant 64 : i32
    %dma_wait3A_314 = arith.constant 0 : i32
    %dma_wait3A_315 = tpu.memref_slice %arg4[%dma_wait3A_313, %dma_wait3A_314] : memref<120x1024xf32, #tpu.memory_space<vmem>> -> memref<56x1024xf32, #tpu.memory_space<vmem>>
    %dma_wait3A_316 = arith.constant 0 : i32
    %dma_wait3A_317 = tpu.memref_slice %arg3[%add3A_121, %dma_wait3A_312, %dma_wait3A_316] : memref<4096x4x1024xf32, #tpu.memory_space<hbm>> -> memref<56x1x1024xf32, #tpu.memory_space<hbm>>
    %dma_wait3A_318 = tpu.memref_squeeze %dma_wait3A_317 : memref<56x1x1024xf32, #tpu.memory_space<hbm>> -> memref<56x1024xf32, #tpu.memory_space<hbm>>
    %dma_wait3A_319 = arith.constant 0 : i32
    %dma_wait3A_320 = tpu.memref_slice %arg3[%add3A_121, %dma_wait3A_312, %dma_wait3A_319] : memref<4096x4x1024xf32, #tpu.memory_space<hbm>> -> memref<56x1x1024xf32, #tpu.memory_space<hbm>>
    %dma_wait3A_321 = tpu.memref_squeeze %dma_wait3A_320 : memref<56x1x1024xf32, #tpu.memory_space<hbm>> -> memref<56x1024xf32, #tpu.memory_space<hbm>>
    %dma_wait3A_322 = arith.constant 64 : i32
    %dma_wait3A_323 = arith.constant 0 : i32
    %dma_wait3A_324 = tpu.memref_slice %arg4[%dma_wait3A_322, %dma_wait3A_323] : memref<120x1024xf32, #tpu.memory_space<vmem>> -> memref<56x1024xf32, #tpu.memory_space<vmem>>
    tpu.wait_dma2 semaphore(%arg6 : memref<!tpu.dma_semaphore, #tpu.memory_space<semaphore_mem>>) src(%dma_wait3A_324 : memref<56x1024xf32, #tpu.memory_space<vmem>>) dst(%dma_wait3A_321 : memref<56x1024xf32, #tpu.memory_space<hbm>>)
    %dma_wait3A_325 = arith.constant 2 : i32
    %dma_wait3A_326 = arith.constant 64 : i32
    %dma_wait3A_327 = arith.constant 0 : i32
    %dma_wait3A_328 = tpu.memref_slice %arg4[%dma_wait3A_326, %dma_wait3A_327] : memref<120x1024xf32, #tpu.memory_space<vmem>> -> memref<56x1024xf32, #tpu.memory_space<vmem>>
    %dma_wait3A_329 = arith.constant 0 : i32
    %dma_wait3A_330 = tpu.memref_slice %arg3[%add3A_136, %dma_wait3A_325, %dma_wait3A_329] : memref<4096x4x1024xf32, #tpu.memory_space<hbm>> -> memref<56x1x1024xf32, #tpu.memory_space<hbm>>
    %dma_wait3A_331 = tpu.memref_squeeze %dma_wait3A_330 : memref<56x1x1024xf32, #tpu.memory_space<hbm>> -> memref<56x1024xf32, #tpu.memory_space<hbm>>
    %dma_wait3A_332 = arith.constant 0 : i32
    %dma_wait3A_333 = tpu.memref_slice %arg3[%add3A_136, %dma_wait3A_325, %dma_wait3A_332] : memref<4096x4x1024xf32, #tpu.memory_space<hbm>> -> memref<56x1x1024xf32, #tpu.memory_space<hbm>>
    %dma_wait3A_334 = tpu.memref_squeeze %dma_wait3A_333 : memref<56x1x1024xf32, #tpu.memory_space<hbm>> -> memref<56x1024xf32, #tpu.memory_space<hbm>>
    %dma_wait3A_335 = arith.constant 64 : i32
    %dma_wait3A_336 = arith.constant 0 : i32
    %dma_wait3A_337 = tpu.memref_slice %arg4[%dma_wait3A_335, %dma_wait3A_336] : memref<120x1024xf32, #tpu.memory_space<vmem>> -> memref<56x1024xf32, #tpu.memory_space<vmem>>
    tpu.wait_dma2 semaphore(%arg6 : memref<!tpu.dma_semaphore, #tpu.memory_space<semaphore_mem>>) src(%dma_wait3A_337 : memref<56x1024xf32, #tpu.memory_space<vmem>>) dst(%dma_wait3A_334 : memref<56x1024xf32, #tpu.memory_space<hbm>>)
    %dma_wait3A_338 = arith.constant 3 : i32
    %dma_wait3A_339 = arith.constant 64 : i32
    %dma_wait3A_340 = arith.constant 0 : i32
    %dma_wait3A_341 = tpu.memref_slice %arg4[%dma_wait3A_339, %dma_wait3A_340] : memref<120x1024xf32, #tpu.memory_space<vmem>> -> memref<56x1024xf32, #tpu.memory_space<vmem>>
    %dma_wait3A_342 = arith.constant 0 : i32
    %dma_wait3A_343 = tpu.memref_slice %arg3[%add3A_151, %dma_wait3A_338, %dma_wait3A_342] : memref<4096x4x1024xf32, #tpu.memory_space<hbm>> -> memref<56x1x1024xf32, #tpu.memory_space<hbm>>
    %dma_wait3A_344 = tpu.memref_squeeze %dma_wait3A_343 : memref<56x1x1024xf32, #tpu.memory_space<hbm>> -> memref<56x1024xf32, #tpu.memory_space<hbm>>
    %dma_wait3A_345 = arith.constant 0 : i32
    %dma_wait3A_346 = tpu.memref_slice %arg3[%add3A_151, %dma_wait3A_338, %dma_wait3A_345] : memref<4096x4x1024xf32, #tpu.memory_space<hbm>> -> memref<56x1x1024xf32, #tpu.memory_space<hbm>>
    %dma_wait3A_347 = tpu.memref_squeeze %dma_wait3A_346 : memref<56x1x1024xf32, #tpu.memory_space<hbm>> -> memref<56x1024xf32, #tpu.memory_space<hbm>>
    %dma_wait3A_348 = arith.constant 64 : i32
    %dma_wait3A_349 = arith.constant 0 : i32
    %dma_wait3A_350 = tpu.memref_slice %arg4[%dma_wait3A_348, %dma_wait3A_349] : memref<120x1024xf32, #tpu.memory_space<vmem>> -> memref<56x1024xf32, #tpu.memory_space<vmem>>
    tpu.wait_dma2 semaphore(%arg6 : memref<!tpu.dma_semaphore, #tpu.memory_space<semaphore_mem>>) src(%dma_wait3A_350 : memref<56x1024xf32, #tpu.memory_space<vmem>>) dst(%dma_wait3A_347 : memref<56x1024xf32, #tpu.memory_space<hbm>>)
    %dma_wait3A_351 = arith.constant 0 : i32
    %dma_wait3A_352 = arith.constant 0 : i32
    %dma_wait3A_353 = arith.constant 0 : i32
    %dma_wait3A_354 = tpu.memref_slice %arg4[%dma_wait3A_352, %dma_wait3A_353] : memref<120x1024xf32, #tpu.memory_space<vmem>> -> memref<8x1024xf32, #tpu.memory_space<vmem>>
    %dma_wait3A_355 = arith.constant 0 : i32
    %dma_wait3A_356 = tpu.memref_slice %arg3[%add3A_240, %dma_wait3A_351, %dma_wait3A_355] : memref<4096x4x1024xf32, #tpu.memory_space<hbm>> -> memref<8x1x1024xf32, #tpu.memory_space<hbm>>
    %dma_wait3A_357 = tpu.memref_squeeze %dma_wait3A_356 : memref<8x1x1024xf32, #tpu.memory_space<hbm>> -> memref<8x1024xf32, #tpu.memory_space<hbm>>
    %dma_wait3A_358 = arith.constant 0 : i32
    %dma_wait3A_359 = tpu.memref_slice %arg3[%add3A_240, %dma_wait3A_351, %dma_wait3A_358] : memref<4096x4x1024xf32, #tpu.memory_space<hbm>> -> memref<8x1x1024xf32, #tpu.memory_space<hbm>>
    %dma_wait3A_360 = tpu.memref_squeeze %dma_wait3A_359 : memref<8x1x1024xf32, #tpu.memory_space<hbm>> -> memref<8x1024xf32, #tpu.memory_space<hbm>>
    %dma_wait3A_361 = arith.constant 0 : i32
    %dma_wait3A_362 = arith.constant 0 : i32
    %dma_wait3A_363 = tpu.memref_slice %arg4[%dma_wait3A_361, %dma_wait3A_362] : memref<120x1024xf32, #tpu.memory_space<vmem>> -> memref<8x1024xf32, #tpu.memory_space<vmem>>
    tpu.wait_dma2 semaphore(%arg6 : memref<!tpu.dma_semaphore, #tpu.memory_space<semaphore_mem>>) src(%dma_wait3A_363 : memref<8x1024xf32, #tpu.memory_space<vmem>>) dst(%dma_wait3A_360 : memref<8x1024xf32, #tpu.memory_space<hbm>>)
    %dma_wait3A_364 = arith.constant 1 : i32
    %dma_wait3A_365 = arith.constant 0 : i32
    %dma_wait3A_366 = arith.constant 0 : i32
    %dma_wait3A_367 = tpu.memref_slice %arg4[%dma_wait3A_365, %dma_wait3A_366] : memref<120x1024xf32, #tpu.memory_space<vmem>> -> memref<8x1024xf32, #tpu.memory_space<vmem>>
    %dma_wait3A_368 = arith.constant 0 : i32
    %dma_wait3A_369 = tpu.memref_slice %arg3[%add3A_255, %dma_wait3A_364, %dma_wait3A_368] : memref<4096x4x1024xf32, #tpu.memory_space<hbm>> -> memref<8x1x1024xf32, #tpu.memory_space<hbm>>
    %dma_wait3A_370 = tpu.memref_squeeze %dma_wait3A_369 : memref<8x1x1024xf32, #tpu.memory_space<hbm>> -> memref<8x1024xf32, #tpu.memory_space<hbm>>
    %dma_wait3A_371 = arith.constant 0 : i32
    %dma_wait3A_372 = tpu.memref_slice %arg3[%add3A_255, %dma_wait3A_364, %dma_wait3A_371] : memref<4096x4x1024xf32, #tpu.memory_space<hbm>> -> memref<8x1x1024xf32, #tpu.memory_space<hbm>>
    %dma_wait3A_373 = tpu.memref_squeeze %dma_wait3A_372 : memref<8x1x1024xf32, #tpu.memory_space<hbm>> -> memref<8x1024xf32, #tpu.memory_space<hbm>>
    %dma_wait3A_374 = arith.constant 0 : i32
    %dma_wait3A_375 = arith.constant 0 : i32
    %dma_wait3A_376 = tpu.memref_slice %arg4[%dma_wait3A_374, %dma_wait3A_375] : memref<120x1024xf32, #tpu.memory_space<vmem>> -> memref<8x1024xf32, #tpu.memory_space<vmem>>
    tpu.wait_dma2 semaphore(%arg6 : memref<!tpu.dma_semaphore, #tpu.memory_space<semaphore_mem>>) src(%dma_wait3A_376 : memref<8x1024xf32, #tpu.memory_space<vmem>>) dst(%dma_wait3A_373 : memref<8x1024xf32, #tpu.memory_space<hbm>>)
    %dma_wait3A_377 = arith.constant 2 : i32
    %dma_wait3A_378 = arith.constant 0 : i32
    %dma_wait3A_379 = arith.constant 0 : i32
    %dma_wait3A_380 = tpu.memref_slice %arg4[%dma_wait3A_378, %dma_wait3A_379] : memref<120x1024xf32, #tpu.memory_space<vmem>> -> memref<8x1024xf32, #tpu.memory_space<vmem>>
    %dma_wait3A_381 = arith.constant 0 : i32
    %dma_wait3A_382 = tpu.memref_slice %arg3[%add3A_270, %dma_wait3A_377, %dma_wait3A_381] : memref<4096x4x1024xf32, #tpu.memory_space<hbm>> -> memref<8x1x1024xf32, #tpu.memory_space<hbm>>
    %dma_wait3A_383 = tpu.memref_squeeze %dma_wait3A_382 : memref<8x1x1024xf32, #tpu.memory_space<hbm>> -> memref<8x1024xf32, #tpu.memory_space<hbm>>
    %dma_wait3A_384 = arith.constant 0 : i32
    %dma_wait3A_385 = tpu.memref_slice %arg3[%add3A_270, %dma_wait3A_377, %dma_wait3A_384] : memref<4096x4x1024xf32, #tpu.memory_space<hbm>> -> memref<8x1x1024xf32, #tpu.memory_space<hbm>>
    %dma_wait3A_386 = tpu.memref_squeeze %dma_wait3A_385 : memref<8x1x1024xf32, #tpu.memory_space<hbm>> -> memref<8x1024xf32, #tpu.memory_space<hbm>>
    %dma_wait3A_387 = arith.constant 0 : i32
    %dma_wait3A_388 = arith.constant 0 : i32
    %dma_wait3A_389 = tpu.memref_slice %arg4[%dma_wait3A_387, %dma_wait3A_388] : memref<120x1024xf32, #tpu.memory_space<vmem>> -> memref<8x1024xf32, #tpu.memory_space<vmem>>
    tpu.wait_dma2 semaphore(%arg6 : memref<!tpu.dma_semaphore, #tpu.memory_space<semaphore_mem>>) src(%dma_wait3A_389 : memref<8x1024xf32, #tpu.memory_space<vmem>>) dst(%dma_wait3A_386 : memref<8x1024xf32, #tpu.memory_space<hbm>>)
    %dma_wait3A_390 = arith.constant 3 : i32
    %dma_wait3A_391 = arith.constant 0 : i32
    %dma_wait3A_392 = arith.constant 0 : i32
    %dma_wait3A_393 = tpu.memref_slice %arg4[%dma_wait3A_391, %dma_wait3A_392] : memref<120x1024xf32, #tpu.memory_space<vmem>> -> memref<8x1024xf32, #tpu.memory_space<vmem>>
    %dma_wait3A_394 = arith.constant 0 : i32
    %dma_wait3A_395 = tpu.memref_slice %arg3[%add3A_285, %dma_wait3A_390, %dma_wait3A_394] : memref<4096x4x1024xf32, #tpu.memory_space<hbm>> -> memref<8x1x1024xf32, #tpu.memory_space<hbm>>
    %dma_wait3A_396 = tpu.memref_squeeze %dma_wait3A_395 : memref<8x1x1024xf32, #tpu.memory_space<hbm>> -> memref<8x1024xf32, #tpu.memory_space<hbm>>
    %dma_wait3A_397 = arith.constant 0 : i32
    %dma_wait3A_398 = tpu.memref_slice %arg3[%add3A_285, %dma_wait3A_390, %dma_wait3A_397] : memref<4096x4x1024xf32, #tpu.memory_space<hbm>> -> memref<8x1x1024xf32, #tpu.memory_space<hbm>>
    %dma_wait3A_399 = tpu.memref_squeeze %dma_wait3A_398 : memref<8x1x1024xf32, #tpu.memory_space<hbm>> -> memref<8x1024xf32, #tpu.memory_space<hbm>>
    %dma_wait3A_400 = arith.constant 0 : i32
    %dma_wait3A_401 = arith.constant 0 : i32
    %dma_wait3A_402 = tpu.memref_slice %arg4[%dma_wait3A_400, %dma_wait3A_401] : memref<120x1024xf32, #tpu.memory_space<vmem>> -> memref<8x1024xf32, #tpu.memory_space<vmem>>
    tpu.wait_dma2 semaphore(%arg6 : memref<!tpu.dma_semaphore, #tpu.memory_space<semaphore_mem>>) src(%dma_wait3A_402 : memref<8x1024xf32, #tpu.memory_space<vmem>>) dst(%dma_wait3A_399 : memref<8x1024xf32, #tpu.memory_space<hbm>>)
    return
  }
}

</mosaic_0001>

<sc_bundles>
// kernel: kernel.3.cloned.1.call-start
scs
__scs_entry_jumppad:
0x0: {  	(pc) =	sbr.rel $0x88, $3  }
0x1: {  	(tag) =	ssettag $0x0;
	lr =	simm.s32 $0x1  }
0x2: {  	[smem:$0x3FA0] =	sst lr;
	_ =	strace $0xD0000000  }
0x3: {  	_ = 	snop  }
0x4: {  	_ = 	snop  }
0x5: {  	_ = 	snop  }
0x6: {  	_ = 	snop  }
0x7: {  	_ = 	snop  }
__scs_overlays_trampoline_lowered:
0x8: {  	[smem:$0x3FAF] =	sst s0  }
0x9: {  	[smem:$0x3FB0] =	sst s1  }
0xa: {  	[smem:$0x3FB1] =	sst s2  }
0xb: {  	[smem:$0x3FB2] =	sst s3  }
0xc: {  	[smem:$0x3FB3] =	sst s4  }
0xd: {  	[smem:$0x3FB4] =	sst s5  }
0xe: {  	[smem:$0x3FB5] =	sst s6  }
0xf: {  	[smem:$0x3FB6] =	sst s7  }
0x10: {  	[smem:$0x3FB7] =	sst s8  }
0x11: {  	[smem:$0x3FB8] =	sst s9;
	s0 =	simm.s32 @!p0 $0x0  }
0x12: {  	s1 =	sld [smem:$0x3F9E];
	s0 =	simm.s32 @p0 $0x1  }
0x13: {  	[smem:$0x3FB9] =	sst s0;
	s0 =	simm.s32 @!p1 $0x0  }
0x14: {  	s2 =	sld [smem:$0x3F9D];
	s0 =	simm.s32 @p1 $0x1  }
0x15: {  	[smem:$0x3FBA] =	sst s0;
	s0 =	simm.s32 @!p2 $0x0  }
0x16: {  	s3 =	sld [smem:$0x3FDB];
	s0 =	simm.s32 @p2 $0x1  }
0x17: {  	s4 =	simm.s32 $0x1BF5;
	[smem:$0x3FBC] =	sst s0  }
0x18: {  	s0 =	sld [smem:$0x3F9F];
	_ =	swait.ge [sflag:s4], $0x0  }
0x19: {  	s7 =	sld [smem:$0x3FA0]  }
0x1a: {  	s8 =	sadd.s32 $0xFFFFE003, lr  }
0x1b: {  	s9 =	sadd.s32 $0xFFFFFEF7, lr;
	s5 =	simm.s32 $0xFFFFFFFF;
	p2 =	slt.u32 s8, $0xFFFFF086  }
0x1c: {  	p1 =	slt.u32 s9, $0xF7A;
	s5 =	simm.s32 @!p2 $0x0  }
0x1d: {  	s5 =	simm.s32 @p1 $0x1;
	p0 =	seq.s32 s7, s2  }
0x1e: {  	s7 =	smul.u32 @!p0 $0xF7A, s2;
	p2 =	seq.s32 @!p0 s5, $0x0  }
0x1f: {  	s9 =	smul.u32 $0xF7A, s1;
	s8 =	simm.s32 @!p0 $0x1BF5;
	p2 =	por !p2, p0  }
0x20: {  	[sflag:s8] =	ssyncset.s32 @!p0 $0xFFFFF086;
	s6 =	sadd.s32 @!p0 s3, s7;
	s7 =	simm.s32 @!p0 $0x108  }
0x21: {  	s3 =	sadd.s32 s3, s9;
	s6 =	sadd.s32 @!p0 $0x88, s6;
	s7 =	simm.s32 @p2 $0x1082  }
0x22: {  	[simem:s7], [sflag:s8] =	dma.local @!p0 [hbm:s6], $0xF7A  }
0x23: {  	s9 =	sor.u32 $0xD0000000, s2;
	s6 =	simm.s32 $0x108;
	_ =	swait.ge @!p0 [sflag:s8], $0x0  }
0x24: {  	s3 =	sadd.s32 $0x88, s3;
	s6 =	simm.s32 @!p1 $0x1082;
	[sflag:s4] =	ssyncset.s32 $0xFFFFF086  }
0x25: {  	[simem:s6], [sflag:s4] =	dma.local [hbm:s3], $0xF7A  }
0x26: {  	[smem:$0x3FA0] =	sst s1;
	(tag) =	ssettag s2;
	_ =	strace s9  }
0x27: {  	s1 =	sld [smem:$0x3FB0]  }
0x28: {  	s2 =	sld [smem:$0x3FB1]  }
0x29: {  	s4 =	sld [smem:$0x3FB3]  }
0x2a: {  	p0 =	seq.s32 s5, $0x0;
	s5 =	sld [smem:$0x3FB4]  }
0x2b: {  	s6 =	sld [smem:$0x3FB5]  }
0x2c: {  	s7 =	sld [smem:$0x3FB6]  }
0x2d: {  	s3 =	simm.s32 $0x108;
	s8 =	sld [smem:$0x3FB7]  }
0x2e: {  	s3 =	simm.s32 @!p0 $0x1082;
	s9 =	sld [smem:$0x3FB8]  }
0x2f: {  	lr =	sadd.s32 s0, s3;
	s0 =	sld [smem:$0x3FAF]  }
0x30: {  	s3 =	sld [smem:$0x3FB2]  }
0x31: {  	[smem:$0x3FBB] =	sst s10  }
0x32: {  	s10 =	sld [smem:$0x3FB9];
	_ =	sdelay $0x3  }
0x33: {  	p0 =	seq.s32 s10, $0x1;
	s10 =	sld [smem:$0x3FBB];
	_ =	sdelay $0x3  }
0x34: {  	[smem:$0x3FBB] =	sst s10  }
0x35: {  	s10 =	sld [smem:$0x3FBA];
	_ =	sdelay $0x3  }
0x36: {  	p1 =	seq.s32 s10, $0x1;
	s10 =	sld [smem:$0x3FBB];
	_ =	sdelay $0x3  }
0x37: {  	[smem:$0x3FBB] =	sst s10  }
0x38: {  	s10 =	sld [smem:$0x3FBC]  }
0x39: {  	_ = 	snop;
	(pc) =	sbr.ind lr, $3  }
0x3a: {  	_ = 	snop  }
0x3b: {  	_ = 	snop  }
0x3c: {  	p2 =	seq.s32 s10, $0x1;
	s10 =	sld [smem:$0x3FBB]  }
0x3d: {  	_ =	shalt  }
0x3e: {  	_ =	shalt  }
0x3f: {  	_ =	shalt  }
0x40: {  	_ =	shalt  }
0x41: {  	_ =	shalt  }
0x42: {  	_ =	shalt  }
0x43: {  	_ =	shalt  }
0x44: {  	_ =	shalt  }
0x45: {  	_ =	shalt  }
0x46: {  	_ =	shalt  }
0x47: {  	_ =	shalt  }
0x48: {  	_ =	shalt  }
0x49: {  	_ =	shalt  }
0x4a: {  	_ =	shalt  }
0x4b: {  	_ =	shalt  }
0x4c: {  	_ =	shalt  }
0x4d: {  	_ =	shalt  }
0x4e: {  	_ =	shalt  }
0x4f: {  	_ =	shalt  }
0x50: {  	_ =	shalt  }
0x51: {  	_ =	shalt  }
0x52: {  	_ =	shalt  }
0x53: {  	_ =	shalt  }
0x54: {  	_ =	shalt  }
0x55: {  	_ =	shalt  }
0x56: {  	_ =	shalt  }
0x57: {  	_ =	shalt  }
0x58: {  	_ =	shalt  }
0x59: {  	_ =	shalt  }
0x5a: {  	_ =	shalt  }
0x5b: {  	_ =	shalt  }
0x5c: {  	_ =	shalt  }
0x5d: {  	_ =	shalt  }
0x5e: {  	_ =	shalt  }
0x5f: {  	_ =	shalt  }
0x60: {  	_ =	shalt  }
0x61: {  	_ =	shalt  }
0x62: {  	_ =	shalt  }
0x63: {  	_ =	shalt  }
0x64: {  	_ =	shalt  }
0x65: {  	_ =	shalt  }
0x66: {  	_ =	shalt  }
0x67: {  	_ =	shalt  }
0x68: {  	_ =	shalt  }
0x69: {  	_ =	shalt  }
0x6a: {  	_ =	shalt  }
0x6b: {  	_ =	shalt  }
0x6c: {  	_ =	shalt  }
0x6d: {  	_ =	shalt  }
0x6e: {  	_ =	shalt  }
0x6f: {  	_ =	shalt  }
0x70: {  	_ =	shalt  }
0x71: {  	_ =	shalt  }
0x72: {  	_ =	shalt  }
0x73: {  	_ =	shalt  }
0x74: {  	_ =	shalt  }
0x75: {  	_ =	shalt  }
0x76: {  	_ =	shalt  }
0x77: {  	_ =	shalt  }
0x78: {  	_ =	shalt  }
0x79: {  	_ =	shalt  }
0x7a: {  	_ =	shalt  }
0x7b: {  	_ =	shalt  }
0x7c: {  	_ =	shalt  }
0x7d: {  	_ =	shalt  }
0x7e: {  	_ =	shalt  }
0x7f: {  	_ =	shalt  }
0x80: {  	_ =	shalt  }
0x81: {  	_ =	shalt  }
0x82: {  	_ =	shalt  }
0x83: {  	_ =	shalt  }
0x84: {  	_ =	shalt  }
0x85: {  	_ =	shalt  }
0x86: {  	_ =	shalt  }
0x87: {  	_ =	shalt  }
.Lfunc_end0:
.L_simem_size_0:
called_computation_lowered:
.L_overlay_start_0:
0x88: {  	s2 =	sld [smem:$0x3FD9]  }
0x89: {  	s3 =	sld [smem:$0x3FFE];
	_ =	sdelay $0x1  }
0x8a: {  	s1 =	srdreg.scid  }
0x8b: {  	s0 =	sand.u32 $0x1, s1  }
0x8c: {  	s18 =	sshll.u32 s0, $0xA;
	s2 =	sadd.s32 s3, s2  }
0x8d: {  	s2 =	sadd.s32 s2, s18  }
0x8e: {  	[smem:$0x3FC7] =	sst s2  }
0x8f: {  	_ = 	snop  }
0x90: {  	s2 =	sld [smem:$0x3FC9]  }
0x91: {  	s19 =	sld [smem:$0x3FD0];
	(tm) =	ssettm $0x1  }
0x92: {  	s4 =	sld [smem:$0x3FFB];
	_ =	sdelay $0x3  }
0x93: {  	_ =	strace s4  }
0x94: {  	s4 =	sld [smem:$0x3FFC];
	_ =	sdelay $0x3  }
0x95: {  	_ =	strace s4  }
0x96: {  	s4 =	sld [smem:$0x3FFD];
	_ =	sdelay $0x3  }
0x97: {  	_ =	strace s4  }
0x98: {  	_ =	strace $0x8FFFFFFF  }
0x99: {  	s20 =	sld [smem:$0x3FDB];
	_ =	sdelay $0x1  }
0x9a: {  	s5 =	simm.s32 $_scs_section_size  }
0x9b: {  	s6 =	simm.s32 $_size__tile_overlayer_lowered;
	s7 =	simm.s32 $_tile_overlayer_lowered  }
0x9c: {  	s23 =	simm.s32 $0x1BFF;
	s22 =	sshll.u32 s7, $0x1;
	s4 =	sadd.s32 s5, s20  }
0x9d: {  	s8 =	simm.s32 $0x0;
	s21 =	sshll.u32 s6, $0x1;
	s6 =	sadd.s32 s22, s4  }
0x9e: {  	[timem:s8], [sflag:s23] =	dma.local [hbm:s6], s21  }
0x9f: {  	_ =	swait.ge [sflag:s23], s21  }
0xa0: {  	s5 =	ssub.s32 $0x0, s21;
	[sflag:s23] =	ssyncset.done $0x0  }
0xa1: {  	[sflag:s23] =	ssyncadd.s32 s5;
	_ =	sdelay $0x1  }
0xa2: {  	s24 =	simm.s32 $0x1B8B  }
0xa3: {  	_ =	swait.ge [sflag:s24], $0x1  }
0xa4: {  	[sflag:s24] =	ssyncset.done $0x0  }
0xa5: {  	s25 =	simm.s32 $0x1B8E;
	[sflag:s24] =	ssyncadd.s32 $0xFFFFFFFF  }
0xa6: {  	s26 =	simm.s32 $execute0_lowered;
	[smem:$0x3FD2] =	sst s25  }
0xa7: {  	s5 =	sshll.u32 s26, $0x1;
	_ =	strace $0x80000046;
	[dreg:$0x1] =	wrdreg $0xFFFFFFFF  }
0xa8: {  	s28 =	simm.s32 $_size_execute0_lowered;
	s4 =	sadd.s32 s4, s5;
	[dreg:$0x0] =	wrdreg $0x0  }
0xa9: {  	s5 =	sshll.u32 s28, $0x1;
	[dreg:$0x2] =	wrdreg s4  }
0xaa: {  	[dreg:$0x3] =	wrdreg s5  }
0xab: {  	[dreg:$0x4] =	wrdreg $0xC0  }
0xac: {  	_ =	task [dreg:s8], $0x5FFFF  }
0xad: {  	[dreg:$0x1] =	wrdreg $0xFFFFFFFF  }
0xae: {  	[dreg:$0x0] =	wrdreg $0x60  }
0xaf: {  	[dreg:$0x2] =	wrdreg s2  }
0xb0: {  	[dreg:$0x3] =	wrdreg s19  }
0xb1: {  	[dreg:$0x4] =	wrdreg $0x9  }
0xb2: {  	_ =	task.clear_ibuf [dreg:s8], $0x5FFFF;
	_ =	strace $0x90000046  }
0xb3: {  	s29 =	simm.s32 $0x9;
	_ =	strace $0x80000048  }
0xb4: {  	_ =	swait.ge [sflag:s29], $0x1  }
0xb5: {  	[sflag:s29] =	ssyncadd.s32 $0xFFFFFFFF  }
0xb6: {  	_ =	strace $0x90000048  }
0xb7: {  	_ =	sfence  }
0xb8: {  	s30 =	sld [smem:$0x0];
	_ =	sdelay $0x2  }
0xb9: {  	s31 =	sshll.u32 s1, $0xD;
	s1 =	sshrl.u32 s1, $0x2  }
0xba: {  	s3 =	sand.u32 $0x4000, s31;
	s1 =	sadd.s32 s1, s30  }
0xbb: {  	s0 =	sor.u32 s3, s0;
	s1 =	sshll.u32 s1, $0x11  }
0xbc: {  	s0 =	sor.u32 s1, s0  }
0xbd: {  	s0 =	sadd.s32 $0x8F2B, s0  }
0xbe: {  	[sflag:s0] =	ssyncadd.remote.s32 $0x1  }
0xbf: {  	_ =	sfence.sel $0xFFFF  }
0xc0: {  	[dreg:$0x0] =	wrdreg $0xFFFFFFFF;
	(pc) =	sbr.abs _section_cstart, $3  }
0xc1: {  	[dreg:$0x1] =	wrdreg $0xFFFFFFFF  }
0xc2: {  	_ =	task.clear_ibuf [dreg:s8], $0x2FFFF;
	_ =	strace $0x9FFFFFFF  }
0xc3: {  	(tm) =	ssettm $0x7FFFFFFF  }
tec
execute0_lowered:
.L_overlay_start_1:
0x0: {  	(tag) =	ssettag $0x1  }
0x1: {  	s0 =	rddreg [dreg:$0x0]  }
0x2: {  	s1 =	rddreg [dreg:$0x1];
	s3 =	srdreg.scid  }
0x3: {  	s4 =	stileid.u32;
	s2 =	simm.s32 $0x0;
	s20 =	simm.s32 $0x1  }
0x4: {  	s21 =	simm.s32 $0x80;
	s28 =	simm.s32 $0x1400;
	s29 =	simm.s32 $0x1800  }
0x5: {  	s30 =	simm.s32 $0x1C00;
	s31 =	simm.s32 $0x2;
	s3 =	sand.u32 $0x1, s3  }
0x6: {  	s4 =	sshll.u32 s4, $0x1;
	[smem:$0x7FF] =	sst s2;
	s13 =	sadd.s32 $0x10, s1  }
0x7: {  	s16 =	sadd.s32 $0x20, s1;
	s17 =	sadd.s32 $0x30, s1;
	s4 =	sor.u32 s3, s4  }
0x8: {  	_ =	strace $0x80000047;
	s3 =	ssub.s32 $0x2, s3;
	s10 =	sshll.u32 s4, $0x7  }
0x9: {  	s5 =	sshrl.u32 s3, $0x1;
	s6 =	sshll.u32 s4, $0xE;
	s4 =	sshll.u32 s4, $0x10  }
0xa: {  	s8 =	sor.u32 $0x40, s10;
	s3 =	ssub.s32 s3, s5;
	s22 =	sadd.s32 s0, s6  }
0xb: {  	s6 =	sadd.s32 s4, s13;
	s7 =	sadd.s32 s4, s16;
	s24 =	sor.u32 $0x78, s10  }
0xc: {  	[dreg:$0x3] =	wrdreg s22;
	s23 =	sshll.u32 s8, $0x7;
	s12 =	sshll.u32 s8, $0x9  }
0xd: {  	s8 =	sadd.s32 s4, s17;
	s14 =	sshll.u32 s24, $0x7;
	s25 =	sshll.u32 s24, $0x9  }
0xe: {  	s26 =	smax.u32 s3, $0x1;
	s22 =	simm.s32 $0x1000;
	s24 =	simm.s32 $0x400  }
0xf: {  	s5 =	sadd.s32 s0, s23;
	s9 =	sadd.s32 s1, s12;
	s10 =	sadd.s32 s12, s13  }
0x10: {  	s11 =	sadd.s32 s12, s16;
	s12 =	sadd.s32 s12, s17;
	s0 =	sadd.s32 s0, s14  }
0x11: {  	s14 =	sadd.s32 s1, s25;
	s15 =	sadd.s32 s25, s13;
	s16 =	sadd.s32 s25, s16  }
0x12: {  	s17 =	sadd.s32 s25, s17;
	[dreg:$0x6] =	wrdreg s26;
	s23 =	simm.s32 $0x3  }
0x13: {  	s25 =	simm.s32 $0x800;
	s26 =	simm.s32 $0xC00;
	[dreg:$0x4] =	wrdreg s5  }
0x14: {  	s5 =	sadd.s32 s1, s4;
	[dreg:$0x5] =	wrdreg s0;
	s0 =	simm.s32 $0x0  }
.LBB2_1:
0x15: {  	s1 =	rddreg [dreg:$0x3]  }
0x16: {  	[tilespmem:s2], [sflag:$0x1] =	stream.linear.gather [hbm4b:s1+s2], $0x10000, $0x38;
	[tilespmem:$0x1E000] =	vst v63  }
0x17: {  	s19 =	rddreg [dreg:$0x4];
	s3 =	simm.s32 $0x10000  }
0x18: {  	[tilespmem:s3], [sflag:$0x1] =	stream.linear.gather [hbm4b:s19+s2], $0xE000, $0x38;
	[tilespmem:$0x1E000] =	vst v63  }
0x19: {  	_ =	swait.ge [sflag:s20], $0x10000  }
0x1a: {  	[sflag:s20] =	ssyncset.done $0x0  }
0x1b: {  	s3 =	simm.s32 $0x0;
	[sflag:s20] =	ssyncadd.s32 $0xFFFF0000  }
0x1c: {  	[hbm4b:s5+s21] =	stream.strided.scatter [tilespmem:s3], [sflag:$0x3], $0x400, s22, s21, $0x38;
	[tilespmem:$0x1E000] =	vst v63  }
0x1d: {  	s4 =	simm.s32 $0x400;
	s13 =	sadd.s32 $0x40, s5  }
0x1e: {  	[hbm4b:s13+s21] =	stream.strided.scatter [tilespmem:s4], [sflag:$0x3], $0x400, s22, s21, $0x38;
	[tilespmem:$0x1E000] =	vst v63  }
0x1f: {  	s18 =	simm.s32 $0x800;
	s19 =	sadd.s32 $0x80, s5  }
0x20: {  	[hbm4b:s19+s21] =	stream.strided.scatter [tilespmem:s18], [sflag:$0x3], $0x400, s22, s21, $0x38;
	[tilespmem:$0x1E000] =	vst v63  }
0x21: {  	s4 =	simm.s32 $0xC00;
	s13 =	sadd.s32 $0xC0, s5  }
0x22: {  	[hbm4b:s13+s21] =	stream.strided.scatter [tilespmem:s4], [sflag:$0x3], $0x400, s22, s21, $0x38;
	[tilespmem:$0x1E000] =	vst v63  }
0x23: {  	s18 =	simm.s32 $0x1000;
	s19 =	sadd.s32 $0x100, s5  }
0x24: {  	[hbm4b:s19+s21] =	stream.strided.scatter [tilespmem:s18], [sflag:$0x3], $0x400, s22, s21, $0x38;
	[tilespmem:$0x1E000] =	vst v63  }
0x25: {  	s4 =	simm.s32 $0x1400;
	s13 =	sadd.s32 $0x140, s5  }
0x26: {  	[hbm4b:s13+s21] =	stream.strided.scatter [tilespmem:s4], [sflag:$0x3], $0x400, s22, s21, $0x38;
	[tilespmem:$0x1E000] =	vst v63  }
0x27: {  	s1 =	simm.s32 $0x8000;
	s18 =	simm.s32 $0x1800;
	s19 =	sadd.s32 $0x180, s5  }
0x28: {  	[hbm4b:s19+s21] =	stream.strided.scatter [tilespmem:s18], [sflag:$0x3], $0x400, s22, s21, $0x38;
	[tilespmem:$0x1E000] =	vst v63  }
0x29: {  	s3 =	simm.s32 $0x1C00;
	s4 =	sadd.s32 $0x1C0, s5;
	s19 =	sadd.s32 $0x1000, s5  }
.LBB2_2:
0x2a: {  	[hbm4b:s4+s21] =	stream.strided.scatter [tilespmem:s3], [sflag:$0x3], $0x400, s22, s21, $0x38;
	[tilespmem:$0x1E000] =	vst v63  }
0x2b: {  	s3 =	sshra.s32 s1, $0x2;
	p0 =	sne.s32 s1, $0x38000;
	s1 =	sadd.s32 $0x8000, s1  }
0x2c: {  	[hbm4b:s19+s21] =	stream.strided.scatter [tilespmem:s3], [sflag:$0x3], $0x400, s22, s21, $0x38;
	[tilespmem:$0x1E000] =	vst v63  }
0x2d: {  	s13 =	sadd.s32 $0x40, s19;
	s4 =	sadd.s32 $0x400, s3  }
0x2e: {  	[hbm4b:s13+s21] =	stream.strided.scatter [tilespmem:s4], [sflag:$0x3], $0x400, s22, s21, $0x38;
	[tilespmem:$0x1E000] =	vst v63  }
0x2f: {  	s4 =	sadd.s32 $0x800, s3;
	s13 =	sadd.s32 $0x80, s19  }
0x30: {  	[hbm4b:s13+s21] =	stream.strided.scatter [tilespmem:s4], [sflag:$0x3], $0x400, s22, s21, $0x38;
	[tilespmem:$0x1E000] =	vst v63  }
0x31: {  	s4 =	sadd.s32 $0xC00, s3;
	s13 =	sadd.s32 $0xC0, s19  }
0x32: {  	[hbm4b:s13+s21] =	stream.strided.scatter [tilespmem:s4], [sflag:$0x3], $0x400, s22, s21, $0x38;
	[tilespmem:$0x1E000] =	vst v63  }
0x33: {  	s4 =	sadd.s32 $0x1000, s3;
	s13 =	sadd.s32 $0x100, s19  }
0x34: {  	[hbm4b:s13+s21] =	stream.strided.scatter [tilespmem:s4], [sflag:$0x3], $0x400, s22, s21, $0x38;
	[tilespmem:$0x1E000] =	vst v63  }
.Ltmp0:
0x35: {  	s4 =	sadd.s32 $0x1400, s3;
	s13 =	sadd.s32 $0x140, s19;
	(pc) =	sbr.rel @p0 .LBB2_2-.Ltmp0, $4  }
0x36: {  	[hbm4b:s13+s21] =	stream.strided.scatter [tilespmem:s4], [sflag:$0x3], $0x400, s22, s21, $0x38;
	[tilespmem:$0x1E000] =	vst v63  }
0x37: {  	s4 =	sadd.s32 $0x1800, s3;
	s13 =	sadd.s32 $0x180, s19  }
0x38: {  	[hbm4b:s13+s21] =	stream.strided.scatter [tilespmem:s4], [sflag:$0x3], $0x400, s22, s21, $0x38;
	[tilespmem:$0x1E000] =	vst v63  }
0x39: {  	s3 =	sadd.s32 $0x1C00, s3;
	s4 =	sadd.s32 $0x1C0, s19;
	s19 =	sadd.s32 $0x1000, s19  }
0x3a: {  	[hbm4b:s4+s21] =	stream.strided.scatter [tilespmem:s3], [sflag:$0x3], $0x400, s22, s21, $0x38;
	[tilespmem:$0x1E000] =	vst v63  }
0x3b: {  	s1 =	simm.s32 $0x0  }
0x3c: {  	[hbm4b:s6+s21] =	stream.strided.scatter [tilespmem:s1], [sflag:$0x3], $0x400, s22, s21, $0x38;
	[tilespmem:$0x1E000] =	vst v63  }
0x3d: {  	s4 =	simm.s32 $0x400;
	s13 =	sadd.s32 $0x40, s6  }
0x3e: {  	[hbm4b:s13+s21] =	stream.strided.scatter [tilespmem:s4], [sflag:$0x3], $0x400, s22, s21, $0x38;
	[tilespmem:$0x1E000] =	vst v63  }
0x3f: {  	s18 =	simm.s32 $0x800;
	s19 =	sadd.s32 $0x80, s6  }
0x40: {  	[hbm4b:s19+s21] =	stream.strided.scatter [tilespmem:s18], [sflag:$0x3], $0x400, s22, s21, $0x38;
	[tilespmem:$0x1E000] =	vst v63  }
0x41: {  	s4 =	simm.s32 $0xC00;
	s13 =	sadd.s32 $0xC0, s6  }
0x42: {  	[hbm4b:s13+s21] =	stream.strided.scatter [tilespmem:s4], [sflag:$0x3], $0x400, s22, s21, $0x38;
	[tilespmem:$0x1E000] =	vst v63  }
0x43: {  	s18 =	simm.s32 $0x1000;
	s19 =	sadd.s32 $0x100, s6  }
0x44: {  	[hbm4b:s19+s21] =	stream.strided.scatter [tilespmem:s18], [sflag:$0x3], $0x400, s22, s21, $0x38;
	[tilespmem:$0x1E000] =	vst v63  }
0x45: {  	s4 =	simm.s32 $0x1400;
	s13 =	sadd.s32 $0x140, s6  }
0x46: {  	[hbm4b:s13+s21] =	stream.strided.scatter [tilespmem:s4], [sflag:$0x3], $0x400, s22, s21, $0x38;
	[tilespmem:$0x1E000] =	vst v63  }
0x47: {  	s3 =	simm.s32 $0x1C00;
	s18 =	simm.s32 $0x1800;
	s19 =	sadd.s32 $0x180, s6  }
0x48: {  	[hbm4b:s19+s21] =	stream.strided.scatter [tilespmem:s18], [sflag:$0x3], $0x400, s22, s21, $0x38;
	[tilespmem:$0x1E000] =	vst v63  }
0x49: {  	s1 =	simm.s32 $0x8000;
	s4 =	sadd.s32 $0x1C0, s6;
	s19 =	sadd.s32 $0x1000, s6  }
.LBB2_4:
0x4a: {  	[hbm4b:s4+s21] =	stream.strided.scatter [tilespmem:s3], [sflag:$0x3], $0x400, s22, s21, $0x38;
	[tilespmem:$0x1E000] =	vst v63  }
0x4b: {  	s3 =	sshra.s32 s1, $0x2;
	p0 =	sne.s32 s1, $0x38000;
	s1 =	sadd.s32 $0x8000, s1  }
0x4c: {  	[hbm4b:s19+s21] =	stream.strided.scatter [tilespmem:s3], [sflag:$0x3], $0x400, s22, s21, $0x38;
	[tilespmem:$0x1E000] =	vst v63  }
0x4d: {  	s13 =	sadd.s32 $0x40, s19;
	s4 =	sadd.s32 $0x400, s3  }
0x4e: {  	[hbm4b:s13+s21] =	stream.strided.scatter [tilespmem:s4], [sflag:$0x3], $0x400, s22, s21, $0x38;
	[tilespmem:$0x1E000] =	vst v63  }
0x4f: {  	s4 =	sadd.s32 $0x800, s3;
	s13 =	sadd.s32 $0x80, s19  }
0x50: {  	[hbm4b:s13+s21] =	stream.strided.scatter [tilespmem:s4], [sflag:$0x3], $0x400, s22, s21, $0x38;
	[tilespmem:$0x1E000] =	vst v63  }
0x51: {  	s4 =	sadd.s32 $0xC00, s3;
	s13 =	sadd.s32 $0xC0, s19  }
0x52: {  	[hbm4b:s13+s21] =	stream.strided.scatter [tilespmem:s4], [sflag:$0x3], $0x400, s22, s21, $0x38;
	[tilespmem:$0x1E000] =	vst v63  }
0x53: {  	s4 =	sadd.s32 $0x1000, s3;
	s13 =	sadd.s32 $0x100, s19  }
0x54: {  	[hbm4b:s13+s21] =	stream.strided.scatter [tilespmem:s4], [sflag:$0x3], $0x400, s22, s21, $0x38;
	[tilespmem:$0x1E000] =	vst v63  }
.Ltmp1:
0x55: {  	s4 =	sadd.s32 $0x1400, s3;
	s13 =	sadd.s32 $0x140, s19;
	(pc) =	sbr.rel @p0 .LBB2_4-.Ltmp1, $4  }
0x56: {  	[hbm4b:s13+s21] =	stream.strided.scatter [tilespmem:s4], [sflag:$0x3], $0x400, s22, s21, $0x38;
	[tilespmem:$0x1E000] =	vst v63  }
0x57: {  	s4 =	sadd.s32 $0x1800, s3;
	s13 =	sadd.s32 $0x180, s19  }
0x58: {  	[hbm4b:s13+s21] =	stream.strided.scatter [tilespmem:s4], [sflag:$0x3], $0x400, s22, s21, $0x38;
	[tilespmem:$0x1E000] =	vst v63  }
0x59: {  	s3 =	sadd.s32 $0x1C00, s3;
	s4 =	sadd.s32 $0x1C0, s19;
	s19 =	sadd.s32 $0x1000, s19  }
0x5a: {  	[hbm4b:s4+s21] =	stream.strided.scatter [tilespmem:s3], [sflag:$0x3], $0x400, s22, s21, $0x38;
	[tilespmem:$0x1E000] =	vst v63  }
0x5b: {  	s1 =	simm.s32 $0x0  }
0x5c: {  	[hbm4b:s7+s21] =	stream.strided.scatter [tilespmem:s1], [sflag:$0x3], $0x400, s22, s21, $0x38;
	[tilespmem:$0x1E000] =	vst v63  }
0x5d: {  	s4 =	simm.s32 $0x400;
	s13 =	sadd.s32 $0x40, s7  }
0x5e: {  	[hbm4b:s13+s21] =	stream.strided.scatter [tilespmem:s4], [sflag:$0x3], $0x400, s22, s21, $0x38;
	[tilespmem:$0x1E000] =	vst v63  }
0x5f: {  	s18 =	simm.s32 $0x800;
	s19 =	sadd.s32 $0x80, s7  }
0x60: {  	[hbm4b:s19+s21] =	stream.strided.scatter [tilespmem:s18], [sflag:$0x3], $0x400, s22, s21, $0x38;
	[tilespmem:$0x1E000] =	vst v63  }
0x61: {  	s4 =	simm.s32 $0xC00;
	s13 =	sadd.s32 $0xC0, s7  }
0x62: {  	[hbm4b:s13+s21] =	stream.strided.scatter [tilespmem:s4], [sflag:$0x3], $0x400, s22, s21, $0x38;
	[tilespmem:$0x1E000] =	vst v63  }
0x63: {  	s18 =	simm.s32 $0x1000;
	s19 =	sadd.s32 $0x100, s7  }
0x64: {  	[hbm4b:s19+s21] =	stream.strided.scatter [tilespmem:s18], [sflag:$0x3], $0x400, s22, s21, $0x38;
	[tilespmem:$0x1E000] =	vst v63  }
0x65: {  	s4 =	simm.s32 $0x1400;
	s13 =	sadd.s32 $0x140, s7  }
0x66: {  	[hbm4b:s13+s21] =	stream.strided.scatter [tilespmem:s4], [sflag:$0x3], $0x400, s22, s21, $0x38;
	[tilespmem:$0x1E000] =	vst v63  }
0x67: {  	s3 =	simm.s32 $0x1C00;
	s18 =	simm.s32 $0x1800;
	s19 =	sadd.s32 $0x180, s7  }
0x68: {  	[hbm4b:s19+s21] =	stream.strided.scatter [tilespmem:s18], [sflag:$0x3], $0x400, s22, s21, $0x38;
	[tilespmem:$0x1E000] =	vst v63  }
0x69: {  	s1 =	simm.s32 $0x8000;
	s4 =	sadd.s32 $0x1C0, s7;
	s19 =	sadd.s32 $0x1000, s7  }
.LBB2_6:
0x6a: {  	[hbm4b:s4+s21] =	stream.strided.scatter [tilespmem:s3], [sflag:$0x3], $0x400, s22, s21, $0x38;
	[tilespmem:$0x1E000] =	vst v63  }
0x6b: {  	s3 =	sshra.s32 s1, $0x2;
	p0 =	sne.s32 s1, $0x38000;
	s1 =	sadd.s32 $0x8000, s1  }
0x6c: {  	[hbm4b:s19+s21] =	stream.strided.scatter [tilespmem:s3], [sflag:$0x3], $0x400, s22, s21, $0x38;
	[tilespmem:$0x1E000] =	vst v63  }
0x6d: {  	s13 =	sadd.s32 $0x40, s19;
	s4 =	sadd.s32 $0x400, s3  }
0x6e: {  	[hbm4b:s13+s21] =	stream.strided.scatter [tilespmem:s4], [sflag:$0x3], $0x400, s22, s21, $0x38;
	[tilespmem:$0x1E000] =	vst v63  }
0x6f: {  	s4 =	sadd.s32 $0x800, s3;
	s13 =	sadd.s32 $0x80, s19  }
0x70: {  	[hbm4b:s13+s21] =	stream.strided.scatter [tilespmem:s4], [sflag:$0x3], $0x400, s22, s21, $0x38;
	[tilespmem:$0x1E000] =	vst v63  }
0x71: {  	s4 =	sadd.s32 $0xC00, s3;
	s13 =	sadd.s32 $0xC0, s19  }
0x72: {  	[hbm4b:s13+s21] =	stream.strided.scatter [tilespmem:s4], [sflag:$0x3], $0x400, s22, s21, $0x38;
	[tilespmem:$0x1E000] =	vst v63  }
0x73: {  	s4 =	sadd.s32 $0x1000, s3;
	s13 =	sadd.s32 $0x100, s19  }
0x74: {  	[hbm4b:s13+s21] =	stream.strided.scatter [tilespmem:s4], [sflag:$0x3], $0x400, s22, s21, $0x38;
	[tilespmem:$0x1E000] =	vst v63  }
.Ltmp2:
0x75: {  	s4 =	sadd.s32 $0x1400, s3;
	s13 =	sadd.s32 $0x140, s19;
	(pc) =	sbr.rel @p0 .LBB2_6-.Ltmp2, $4  }
0x76: {  	[hbm4b:s13+s21] =	stream.strided.scatter [tilespmem:s4], [sflag:$0x3], $0x400, s22, s21, $0x38;
	[tilespmem:$0x1E000] =	vst v63  }
0x77: {  	s4 =	sadd.s32 $0x1800, s3;
	s13 =	sadd.s32 $0x180, s19  }
0x78: {  	[hbm4b:s13+s21] =	stream.strided.scatter [tilespmem:s4], [sflag:$0x3], $0x400, s22, s21, $0x38;
	[tilespmem:$0x1E000] =	vst v63  }
0x79: {  	s3 =	sadd.s32 $0x1C00, s3;
	s4 =	sadd.s32 $0x1C0, s19;
	s19 =	sadd.s32 $0x1000, s19  }
0x7a: {  	[hbm4b:s4+s21] =	stream.strided.scatter [tilespmem:s3], [sflag:$0x3], $0x400, s22, s21, $0x38;
	[tilespmem:$0x1E000] =	vst v63  }
0x7b: {  	s1 =	simm.s32 $0x0  }
0x7c: {  	[hbm4b:s8+s21] =	stream.strided.scatter [tilespmem:s1], [sflag:$0x3], $0x400, s22, s21, $0x38;
	[tilespmem:$0x1E000] =	vst v63  }
0x7d: {  	s4 =	simm.s32 $0x400;
	s13 =	sadd.s32 $0x40, s8  }
0x7e: {  	[hbm4b:s13+s21] =	stream.strided.scatter [tilespmem:s4], [sflag:$0x3], $0x400, s22, s21, $0x38;
	[tilespmem:$0x1E000] =	vst v63  }
0x7f: {  	s18 =	simm.s32 $0x800;
	s19 =	sadd.s32 $0x80, s8  }
0x80: {  	[hbm4b:s19+s21] =	stream.strided.scatter [tilespmem:s18], [sflag:$0x3], $0x400, s22, s21, $0x38;
	[tilespmem:$0x1E000] =	vst v63  }
0x81: {  	s4 =	simm.s32 $0xC00;
	s13 =	sadd.s32 $0xC0, s8  }
0x82: {  	[hbm4b:s13+s21] =	stream.strided.scatter [tilespmem:s4], [sflag:$0x3], $0x400, s22, s21, $0x38;
	[tilespmem:$0x1E000] =	vst v63  }
0x83: {  	s18 =	simm.s32 $0x1000;
	s19 =	sadd.s32 $0x100, s8  }
0x84: {  	[hbm4b:s19+s21] =	stream.strided.scatter [tilespmem:s18], [sflag:$0x3], $0x400, s22, s21, $0x38;
	[tilespmem:$0x1E000] =	vst v63  }
0x85: {  	s4 =	simm.s32 $0x1400;
	s13 =	sadd.s32 $0x140, s8  }
0x86: {  	[hbm4b:s13+s21] =	stream.strided.scatter [tilespmem:s4], [sflag:$0x3], $0x400, s22, s21, $0x38;
	[tilespmem:$0x1E000] =	vst v63  }
0x87: {  	s3 =	simm.s32 $0x1C00;
	s18 =	simm.s32 $0x1800;
	s19 =	sadd.s32 $0x180, s8  }
0x88: {  	[hbm4b:s19+s21] =	stream.strided.scatter [tilespmem:s18], [sflag:$0x3], $0x400, s22, s21, $0x38;
	[tilespmem:$0x1E000] =	vst v63  }
0x89: {  	s1 =	simm.s32 $0x8000;
	s4 =	sadd.s32 $0x1C0, s8;
	s19 =	sadd.s32 $0x1000, s8  }
.LBB2_8:
0x8a: {  	[hbm4b:s4+s21] =	stream.strided.scatter [tilespmem:s3], [sflag:$0x3], $0x400, s22, s21, $0x38;
	[tilespmem:$0x1E000] =	vst v63  }
0x8b: {  	s3 =	sshra.s32 s1, $0x2;
	p0 =	sne.s32 s1, $0x38000;
	s1 =	sadd.s32 $0x8000, s1  }
0x8c: {  	[hbm4b:s19+s21] =	stream.strided.scatter [tilespmem:s3], [sflag:$0x3], $0x400, s22, s21, $0x38;
	[tilespmem:$0x1E000] =	vst v63  }
0x8d: {  	s13 =	sadd.s32 $0x40, s19;
	s4 =	sadd.s32 $0x400, s3  }
0x8e: {  	[hbm4b:s13+s21] =	stream.strided.scatter [tilespmem:s4], [sflag:$0x3], $0x400, s22, s21, $0x38;
	[tilespmem:$0x1E000] =	vst v63  }
0x8f: {  	s4 =	sadd.s32 $0x800, s3;
	s13 =	sadd.s32 $0x80, s19  }
0x90: {  	[hbm4b:s13+s21] =	stream.strided.scatter [tilespmem:s4], [sflag:$0x3], $0x400, s22, s21, $0x38;
	[tilespmem:$0x1E000] =	vst v63  }
0x91: {  	s4 =	sadd.s32 $0xC00, s3;
	s13 =	sadd.s32 $0xC0, s19  }
0x92: {  	[hbm4b:s13+s21] =	stream.strided.scatter [tilespmem:s4], [sflag:$0x3], $0x400, s22, s21, $0x38;
	[tilespmem:$0x1E000] =	vst v63  }
0x93: {  	s4 =	sadd.s32 $0x1000, s3;
	s13 =	sadd.s32 $0x100, s19  }
0x94: {  	[hbm4b:s13+s21] =	stream.strided.scatter [tilespmem:s4], [sflag:$0x3], $0x400, s22, s21, $0x38;
	[tilespmem:$0x1E000] =	vst v63  }
.Ltmp3:
0x95: {  	s4 =	sadd.s32 $0x1400, s3;
	s13 =	sadd.s32 $0x140, s19;
	(pc) =	sbr.rel @p0 .LBB2_8-.Ltmp3, $4  }
0x96: {  	[hbm4b:s13+s21] =	stream.strided.scatter [tilespmem:s4], [sflag:$0x3], $0x400, s22, s21, $0x38;
	[tilespmem:$0x1E000] =	vst v63  }
0x97: {  	s4 =	sadd.s32 $0x1800, s3;
	s13 =	sadd.s32 $0x180, s19  }
0x98: {  	[hbm4b:s13+s21] =	stream.strided.scatter [tilespmem:s4], [sflag:$0x3], $0x400, s22, s21, $0x38;
	[tilespmem:$0x1E000] =	vst v63  }
0x99: {  	s3 =	sadd.s32 $0x1C00, s3;
	s4 =	sadd.s32 $0x1C0, s19;
	s19 =	sadd.s32 $0x1000, s19  }
0x9a: {  	[hbm4b:s4+s21] =	stream.strided.scatter [tilespmem:s3], [sflag:$0x3], $0x400, s22, s21, $0x38;
	[tilespmem:$0x1E000] =	vst v63  }
0x9b: {  	_ =	swait.ge [sflag:s20], $0xE000  }
0x9c: {  	[sflag:s20] =	ssyncset.done $0x0  }
0x9d: {  	s1 =	simm.s32 $0x10000;
	[sflag:s20] =	ssyncadd.s32 $0xFFFF2000  }
0x9e: {  	[hbm4b:s9+s21] =	stream.strided.scatter [tilespmem:s1], [sflag:$0x2], $0x400, s22, s21, $0x38;
	[tilespmem:$0x1E000] =	vst v63  }
0x9f: {  	s4 =	simm.s32 $0x10400;
	s13 =	sadd.s32 $0x40, s9  }
0xa0: {  	[hbm4b:s13+s21] =	stream.strided.scatter [tilespmem:s4], [sflag:$0x2], $0x400, s22, s21, $0x38;
	[tilespmem:$0x1E000] =	vst v63  }
0xa1: {  	s18 =	simm.s32 $0x10800;
	s19 =	sadd.s32 $0x80, s9  }
0xa2: {  	[hbm4b:s19+s21] =	stream.strided.scatter [tilespmem:s18], [sflag:$0x2], $0x400, s22, s21, $0x38;
	[tilespmem:$0x1E000] =	vst v63  }
0xa3: {  	s4 =	simm.s32 $0x10C00;
	s13 =	sadd.s32 $0xC0, s9  }
0xa4: {  	[hbm4b:s13+s21] =	stream.strided.scatter [tilespmem:s4], [sflag:$0x2], $0x400, s22, s21, $0x38;
	[tilespmem:$0x1E000] =	vst v63  }
0xa5: {  	s18 =	simm.s32 $0x11000;
	s19 =	sadd.s32 $0x100, s9  }
0xa6: {  	[hbm4b:s19+s21] =	stream.strided.scatter [tilespmem:s18], [sflag:$0x2], $0x400, s22, s21, $0x38;
	[tilespmem:$0x1E000] =	vst v63  }
0xa7: {  	s3 =	simm.s32 $0x10000;
	s4 =	simm.s32 $0x11400;
	s13 =	sadd.s32 $0x140, s9  }
0xa8: {  	[hbm4b:s13+s21] =	stream.strided.scatter [tilespmem:s4], [sflag:$0x2], $0x400, s22, s21, $0x38;
	[tilespmem:$0x1E000] =	vst v63  }
0xa9: {  	s1 =	simm.s32 $0x2000;
	s18 =	simm.s32 $0x11800;
	s19 =	sadd.s32 $0x180, s9  }
0xaa: {  	[hbm4b:s19+s21] =	stream.strided.scatter [tilespmem:s18], [sflag:$0x2], $0x400, s22, s21, $0x38;
	[tilespmem:$0x1E000] =	vst v63  }
0xab: {  	s4 =	simm.s32 $0x11C00;
	s13 =	sadd.s32 $0x1C0, s9;
	s19 =	sadd.s32 $0x1000, s9  }
.LBB2_10:
0xac: {  	[hbm4b:s13+s21] =	stream.strided.scatter [tilespmem:s4], [sflag:$0x2], $0x400, s22, s21, $0x38;
	[tilespmem:$0x1E000] =	vst v63  }
0xad: {  	s4 =	smov.u32 s1;
	s1 =	smov.u32 s3  }
0xae: {  	s18 =	sadd.s32 $0x8000, s3;
	s1 =	sshra.s32 s1, $0x2;
	s13 =	sadd.s32 $0x10000, s4  }
0xaf: {  	[hbm4b:s19+s21] =	stream.strided.scatter [tilespmem:s13], [sflag:$0x2], $0x400, s22, s21, $0x38;
	[tilespmem:$0x1E000] =	vst v63  }
0xb0: {  	p0 =	sne.s32 s3, $0x30000;
	s3 =	sadd.s32 $0x10400, s4;
	s13 =	sadd.s32 $0x40, s19  }
0xb1: {  	[hbm4b:s13+s21] =	stream.strided.scatter [tilespmem:s3], [sflag:$0x2], $0x400, s22, s21, $0x38;
	[tilespmem:$0x1E000] =	vst v63  }
0xb2: {  	s3 =	sadd.s32 $0x10800, s4;
	s13 =	sadd.s32 $0x80, s19  }
0xb3: {  	[hbm4b:s13+s21] =	stream.strided.scatter [tilespmem:s3], [sflag:$0x2], $0x400, s22, s21, $0x38;
	[tilespmem:$0x1E000] =	vst v63  }
0xb4: {  	s3 =	sadd.s32 $0x10C00, s4;
	s13 =	sadd.s32 $0xC0, s19  }
0xb5: {  	[hbm4b:s13+s21] =	stream.strided.scatter [tilespmem:s3], [sflag:$0x2], $0x400, s22, s21, $0x38;
	[tilespmem:$0x1E000] =	vst v63  }
0xb6: {  	s3 =	sadd.s32 $0x11000, s4;
	s13 =	sadd.s32 $0x100, s19  }
0xb7: {  	[hbm4b:s13+s21] =	stream.strided.scatter [tilespmem:s3], [sflag:$0x2], $0x400, s22, s21, $0x38;
	[tilespmem:$0x1E000] =	vst v63  }
.Ltmp4:
0xb8: {  	s3 =	sadd.s32 $0x11400, s4;
	s13 =	sadd.s32 $0x140, s19;
	(pc) =	sbr.rel @p0 .LBB2_10-.Ltmp4, $4  }
0xb9: {  	[hbm4b:s13+s21] =	stream.strided.scatter [tilespmem:s3], [sflag:$0x2], $0x400, s22, s21, $0x38;
	[tilespmem:$0x1E000] =	vst v63  }
0xba: {  	s3 =	sadd.s32 $0x11800, s4;
	s13 =	sadd.s32 $0x180, s19;
	s4 =	sadd.s32 $0x11C00, s4  }
0xbb: {  	[hbm4b:s13+s21] =	stream.strided.scatter [tilespmem:s3], [sflag:$0x2], $0x400, s22, s21, $0x38;
	[tilespmem:$0x1E000] =	vst v63  }
0xbc: {  	s13 =	sadd.s32 $0x1C0, s19;
	s19 =	sadd.s32 $0x1000, s19;
	s3 =	smov.u32 s18  }
0xbd: {  	[hbm4b:s13+s21] =	stream.strided.scatter [tilespmem:s4], [sflag:$0x2], $0x400, s22, s21, $0x38;
	[tilespmem:$0x1E000] =	vst v63  }
0xbe: {  	s3 =	sadd.s32 $0x10000, s1  }
0xbf: {  	[hbm4b:s19+s21] =	stream.strided.scatter [tilespmem:s3], [sflag:$0x2], $0x400, s22, s21, $0x38;
	[tilespmem:$0x1E000] =	vst v63  }
0xc0: {  	s13 =	sadd.s32 $0x10400, s1;
	s18 =	sadd.s32 $0x40, s19  }
0xc1: {  	[hbm4b:s18+s21] =	stream.strided.scatter [tilespmem:s13], [sflag:$0x2], $0x400, s22, s21, $0x38;
	[tilespmem:$0x1E000] =	vst v63  }
0xc2: {  	s13 =	sadd.s32 $0x10800, s1;
	s18 =	sadd.s32 $0x80, s19  }
0xc3: {  	[hbm4b:s18+s21] =	stream.strided.scatter [tilespmem:s13], [sflag:$0x2], $0x400, s22, s21, $0x38;
	[tilespmem:$0x1E000] =	vst v63  }
0xc4: {  	s13 =	sadd.s32 $0x10C00, s1;
	s18 =	sadd.s32 $0xC0, s19  }
0xc5: {  	[hbm4b:s18+s21] =	stream.strided.scatter [tilespmem:s13], [sflag:$0x2], $0x400, s22, s21, $0x38;
	[tilespmem:$0x1E000] =	vst v63  }
0xc6: {  	s13 =	sadd.s32 $0x11000, s1;
	s18 =	sadd.s32 $0x100, s19  }
0xc7: {  	[hbm4b:s18+s21] =	stream.strided.scatter [tilespmem:s13], [sflag:$0x2], $0x400, s22, s21, $0x38;
	[tilespmem:$0x1E000] =	vst v63  }
0xc8: {  	s13 =	sadd.s32 $0x11400, s1;
	s18 =	sadd.s32 $0x140, s19  }
0xc9: {  	[hbm4b:s18+s21] =	stream.strided.scatter [tilespmem:s13], [sflag:$0x2], $0x400, s22, s21, $0x38;
	[tilespmem:$0x1E000] =	vst v63  }
0xca: {  	s4 =	sadd.s32 $0x11800, s1;
	s13 =	sadd.s32 $0x180, s19  }
0xcb: {  	[hbm4b:s13+s21] =	stream.strided.scatter [tilespmem:s4], [sflag:$0x2], $0x400, s22, s21, $0x38;
	[tilespmem:$0x1E000] =	vst v63  }
0xcc: {  	s18 =	sadd.s32 $0x11C00, s1;
	s19 =	sadd.s32 $0x1C0, s19  }
0xcd: {  	[hbm4b:s19+s21] =	stream.strided.scatter [tilespmem:s18], [sflag:$0x2], $0x400, s22, s21, $0x38;
	[tilespmem:$0x1E000] =	vst v63  }
0xce: {  	s3 =	simm.s32 $0x10000  }
0xcf: {  	[hbm4b:s10+s21] =	stream.strided.scatter [tilespmem:s3], [sflag:$0x2], $0x400, s22, s21, $0x38;
	[tilespmem:$0x1E000] =	vst v63  }
0xd0: {  	s4 =	simm.s32 $0x10400;
	s13 =	sadd.s32 $0x40, s10  }
0xd1: {  	[hbm4b:s13+s21] =	stream.strided.scatter [tilespmem:s4], [sflag:$0x2], $0x400, s22, s21, $0x38;
	[tilespmem:$0x1E000] =	vst v63  }
0xd2: {  	s18 =	simm.s32 $0x10800;
	s19 =	sadd.s32 $0x80, s10  }
0xd3: {  	[hbm4b:s19+s21] =	stream.strided.scatter [tilespmem:s18], [sflag:$0x2], $0x400, s22, s21, $0x38;
	[tilespmem:$0x1E000] =	vst v63  }
0xd4: {  	s4 =	simm.s32 $0x10C00;
	s13 =	sadd.s32 $0xC0, s10  }
0xd5: {  	[hbm4b:s13+s21] =	stream.strided.scatter [tilespmem:s4], [sflag:$0x2], $0x400, s22, s21, $0x38;
	[tilespmem:$0x1E000] =	vst v63  }
0xd6: {  	s18 =	simm.s32 $0x11000;
	s19 =	sadd.s32 $0x100, s10  }
0xd7: {  	[hbm4b:s19+s21] =	stream.strided.scatter [tilespmem:s18], [sflag:$0x2], $0x400, s22, s21, $0x38;
	[tilespmem:$0x1E000] =	vst v63  }
0xd8: {  	s1 =	simm.s32 $0x2000;
	s4 =	simm.s32 $0x11400;
	s13 =	sadd.s32 $0x140, s10  }
0xd9: {  	[hbm4b:s13+s21] =	stream.strided.scatter [tilespmem:s4], [sflag:$0x2], $0x400, s22, s21, $0x38;
	[tilespmem:$0x1E000] =	vst v63  }
0xda: {  	s3 =	simm.s32 $0x10000;
	s18 =	simm.s32 $0x11800;
	s19 =	sadd.s32 $0x180, s10  }
0xdb: {  	[hbm4b:s19+s21] =	stream.strided.scatter [tilespmem:s18], [sflag:$0x2], $0x400, s22, s21, $0x38;
	[tilespmem:$0x1E000] =	vst v63  }
0xdc: {  	s4 =	simm.s32 $0x11C00;
	s13 =	sadd.s32 $0x1C0, s10;
	s19 =	sadd.s32 $0x1000, s10  }
.LBB2_12:
0xdd: {  	[hbm4b:s13+s21] =	stream.strided.scatter [tilespmem:s4], [sflag:$0x2], $0x400, s22, s21, $0x38;
	[tilespmem:$0x1E000] =	vst v63  }
0xde: {  	s4 =	smov.u32 s1;
	s1 =	smov.u32 s3  }
0xdf: {  	s18 =	sadd.s32 $0x8000, s3;
	s1 =	sshra.s32 s1, $0x2;
	s13 =	sadd.s32 $0x10000, s4  }
0xe0: {  	[hbm4b:s19+s21] =	stream.strided.scatter [tilespmem:s13], [sflag:$0x2], $0x400, s22, s21, $0x38;
	[tilespmem:$0x1E000] =	vst v63  }
0xe1: {  	p0 =	sne.s32 s3, $0x30000;
	s3 =	sadd.s32 $0x10400, s4;
	s13 =	sadd.s32 $0x40, s19  }
0xe2: {  	[hbm4b:s13+s21] =	stream.strided.scatter [tilespmem:s3], [sflag:$0x2], $0x400, s22, s21, $0x38;
	[tilespmem:$0x1E000] =	vst v63  }
0xe3: {  	s3 =	sadd.s32 $0x10800, s4;
	s13 =	sadd.s32 $0x80, s19  }
0xe4: {  	[hbm4b:s13+s21] =	stream.strided.scatter [tilespmem:s3], [sflag:$0x2], $0x400, s22, s21, $0x38;
	[tilespmem:$0x1E000] =	vst v63  }
0xe5: {  	s3 =	sadd.s32 $0x10C00, s4;
	s13 =	sadd.s32 $0xC0, s19  }
0xe6: {  	[hbm4b:s13+s21] =	stream.strided.scatter [tilespmem:s3], [sflag:$0x2], $0x400, s22, s21, $0x38;
	[tilespmem:$0x1E000] =	vst v63  }
0xe7: {  	s3 =	sadd.s32 $0x11000, s4;
	s13 =	sadd.s32 $0x100, s19  }
0xe8: {  	[hbm4b:s13+s21] =	stream.strided.scatter [tilespmem:s3], [sflag:$0x2], $0x400, s22, s21, $0x38;
	[tilespmem:$0x1E000] =	vst v63  }
.Ltmp5:
0xe9: {  	s3 =	sadd.s32 $0x11400, s4;
	s13 =	sadd.s32 $0x140, s19;
	(pc) =	sbr.rel @p0 .LBB2_12-.Ltmp5, $4  }
0xea: {  	[hbm4b:s13+s21] =	stream.strided.scatter [tilespmem:s3], [sflag:$0x2], $0x400, s22, s21, $0x38;
	[tilespmem:$0x1E000] =	vst v63  }
0xeb: {  	s3 =	sadd.s32 $0x11800, s4;
	s13 =	sadd.s32 $0x180, s19;
	s4 =	sadd.s32 $0x11C00, s4  }
0xec: {  	[hbm4b:s13+s21] =	stream.strided.scatter [tilespmem:s3], [sflag:$0x2], $0x400, s22, s21, $0x38;
	[tilespmem:$0x1E000] =	vst v63  }
0xed: {  	s13 =	sadd.s32 $0x1C0, s19;
	s19 =	sadd.s32 $0x1000, s19;
	s3 =	smov.u32 s18  }
0xee: {  	[hbm4b:s13+s21] =	stream.strided.scatter [tilespmem:s4], [sflag:$0x2], $0x400, s22, s21, $0x38;
	[tilespmem:$0x1E000] =	vst v63  }
0xef: {  	s3 =	sadd.s32 $0x10000, s1  }
0xf0: {  	[hbm4b:s19+s21] =	stream.strided.scatter [tilespmem:s3], [sflag:$0x2], $0x400, s22, s21, $0x38;
	[tilespmem:$0x1E000] =	vst v63  }
0xf1: {  	s13 =	sadd.s32 $0x10400, s1;
	s18 =	sadd.s32 $0x40, s19  }
0xf2: {  	[hbm4b:s18+s21] =	stream.strided.scatter [tilespmem:s13], [sflag:$0x2], $0x400, s22, s21, $0x38;
	[tilespmem:$0x1E000] =	vst v63  }
0xf3: {  	s13 =	sadd.s32 $0x10800, s1;
	s18 =	sadd.s32 $0x80, s19  }
0xf4: {  	[hbm4b:s18+s21] =	stream.strided.scatter [tilespmem:s13], [sflag:$0x2], $0x400, s22, s21, $0x38;
	[tilespmem:$0x1E000] =	vst v63  }
0xf5: {  	s13 =	sadd.s32 $0x10C00, s1;
	s18 =	sadd.s32 $0xC0, s19  }
0xf6: {  	[hbm4b:s18+s21] =	stream.strided.scatter [tilespmem:s13], [sflag:$0x2], $0x400, s22, s21, $0x38;
	[tilespmem:$0x1E000] =	vst v63  }
0xf7: {  	s13 =	sadd.s32 $0x11000, s1;
	s18 =	sadd.s32 $0x100, s19  }
0xf8: {  	[hbm4b:s18+s21] =	stream.strided.scatter [tilespmem:s13], [sflag:$0x2], $0x400, s22, s21, $0x38;
	[tilespmem:$0x1E000] =	vst v63  }
0xf9: {  	s13 =	sadd.s32 $0x11400, s1;
	s18 =	sadd.s32 $0x140, s19  }
0xfa: {  	[hbm4b:s18+s21] =	stream.strided.scatter [tilespmem:s13], [sflag:$0x2], $0x400, s22, s21, $0x38;
	[tilespmem:$0x1E000] =	vst v63  }
0xfb: {  	s4 =	sadd.s32 $0x11800, s1;
	s13 =	sadd.s32 $0x180, s19  }
0xfc: {  	[hbm4b:s13+s21] =	stream.strided.scatter [tilespmem:s4], [sflag:$0x2], $0x400, s22, s21, $0x38;
	[tilespmem:$0x1E000] =	vst v63  }
0xfd: {  	s18 =	sadd.s32 $0x11C00, s1;
	s19 =	sadd.s32 $0x1C0, s19  }
0xfe: {  	[hbm4b:s19+s21] =	stream.strided.scatter [tilespmem:s18], [sflag:$0x2], $0x400, s22, s21, $0x38;
	[tilespmem:$0x1E000] =	vst v63  }
0xff: {  	s3 =	simm.s32 $0x10000  }
0x100: {  	[hbm4b:s11+s21] =	stream.strided.scatter [tilespmem:s3], [sflag:$0x2], $0x400, s22, s21, $0x38;
	[tilespmem:$0x1E000] =	vst v63  }
0x101: {  	s4 =	simm.s32 $0x10400;
	s13 =	sadd.s32 $0x40, s11  }
0x102: {  	[hbm4b:s13+s21] =	stream.strided.scatter [tilespmem:s4], [sflag:$0x2], $0x400, s22, s21, $0x38;
	[tilespmem:$0x1E000] =	vst v63  }
0x103: {  	s18 =	simm.s32 $0x10800;
	s19 =	sadd.s32 $0x80, s11  }
0x104: {  	[hbm4b:s19+s21] =	stream.strided.scatter [tilespmem:s18], [sflag:$0x2], $0x400, s22, s21, $0x38;
	[tilespmem:$0x1E000] =	vst v63  }
0x105: {  	s4 =	simm.s32 $0x10C00;
	s13 =	sadd.s32 $0xC0, s11  }
0x106: {  	[hbm4b:s13+s21] =	stream.strided.scatter [tilespmem:s4], [sflag:$0x2], $0x400, s22, s21, $0x38;
	[tilespmem:$0x1E000] =	vst v63  }
0x107: {  	s18 =	simm.s32 $0x11000;
	s19 =	sadd.s32 $0x100, s11  }
0x108: {  	[hbm4b:s19+s21] =	stream.strided.scatter [tilespmem:s18], [sflag:$0x2], $0x400, s22, s21, $0x38;
	[tilespmem:$0x1E000] =	vst v63  }
0x109: {  	s1 =	simm.s32 $0x2000;
	s4 =	simm.s32 $0x11400;
	s13 =	sadd.s32 $0x140, s11  }
0x10a: {  	[hbm4b:s13+s21] =	stream.strided.scatter [tilespmem:s4], [sflag:$0x2], $0x400, s22, s21, $0x38;
	[tilespmem:$0x1E000] =	vst v63  }
0x10b: {  	s3 =	simm.s32 $0x10000;
	s18 =	simm.s32 $0x11800;
	s19 =	sadd.s32 $0x180, s11  }
0x10c: {  	[hbm4b:s19+s21] =	stream.strided.scatter [tilespmem:s18], [sflag:$0x2], $0x400, s22, s21, $0x38;
	[tilespmem:$0x1E000] =	vst v63  }
0x10d: {  	s4 =	simm.s32 $0x11C00;
	s13 =	sadd.s32 $0x1C0, s11;
	s19 =	sadd.s32 $0x1000, s11  }
.LBB2_14:
0x10e: {  	[hbm4b:s13+s21] =	stream.strided.scatter [tilespmem:s4], [sflag:$0x2], $0x400, s22, s21, $0x38;
	[tilespmem:$0x1E000] =	vst v63  }
0x10f: {  	s4 =	smov.u32 s1;
	s1 =	smov.u32 s3  }
0x110: {  	s18 =	sadd.s32 $0x8000, s3;
	s1 =	sshra.s32 s1, $0x2;
	s13 =	sadd.s32 $0x10000, s4  }
0x111: {  	[hbm4b:s19+s21] =	stream.strided.scatter [tilespmem:s13], [sflag:$0x2], $0x400, s22, s21, $0x38;
	[tilespmem:$0x1E000] =	vst v63  }
0x112: {  	p0 =	sne.s32 s3, $0x30000;
	s3 =	sadd.s32 $0x10400, s4;
	s13 =	sadd.s32 $0x40, s19  }
0x113: {  	[hbm4b:s13+s21] =	stream.strided.scatter [tilespmem:s3], [sflag:$0x2], $0x400, s22, s21, $0x38;
	[tilespmem:$0x1E000] =	vst v63  }
0x114: {  	s3 =	sadd.s32 $0x10800, s4;
	s13 =	sadd.s32 $0x80, s19  }
0x115: {  	[hbm4b:s13+s21] =	stream.strided.scatter [tilespmem:s3], [sflag:$0x2], $0x400, s22, s21, $0x38;
	[tilespmem:$0x1E000] =	vst v63  }
0x116: {  	s3 =	sadd.s32 $0x10C00, s4;
	s13 =	sadd.s32 $0xC0, s19  }
0x117: {  	[hbm4b:s13+s21] =	stream.strided.scatter [tilespmem:s3], [sflag:$0x2], $0x400, s22, s21, $0x38;
	[tilespmem:$0x1E000] =	vst v63  }
0x118: {  	s3 =	sadd.s32 $0x11000, s4;
	s13 =	sadd.s32 $0x100, s19  }
0x119: {  	[hbm4b:s13+s21] =	stream.strided.scatter [tilespmem:s3], [sflag:$0x2], $0x400, s22, s21, $0x38;
	[tilespmem:$0x1E000] =	vst v63  }
.Ltmp6:
0x11a: {  	s3 =	sadd.s32 $0x11400, s4;
	s13 =	sadd.s32 $0x140, s19;
	(pc) =	sbr.rel @p0 .LBB2_14-.Ltmp6, $4  }
0x11b: {  	[hbm4b:s13+s21] =	stream.strided.scatter [tilespmem:s3], [sflag:$0x2], $0x400, s22, s21, $0x38;
	[tilespmem:$0x1E000] =	vst v63  }
0x11c: {  	s3 =	sadd.s32 $0x11800, s4;
	s13 =	sadd.s32 $0x180, s19;
	s4 =	sadd.s32 $0x11C00, s4  }
0x11d: {  	[hbm4b:s13+s21] =	stream.strided.scatter [tilespmem:s3], [sflag:$0x2], $0x400, s22, s21, $0x38;
	[tilespmem:$0x1E000] =	vst v63  }
0x11e: {  	s13 =	sadd.s32 $0x1C0, s19;
	s19 =	sadd.s32 $0x1000, s19;
	s3 =	smov.u32 s18  }
0x11f: {  	[hbm4b:s13+s21] =	stream.strided.scatter [tilespmem:s4], [sflag:$0x2], $0x400, s22, s21, $0x38;
	[tilespmem:$0x1E000] =	vst v63  }
0x120: {  	s3 =	sadd.s32 $0x10000, s1  }
0x121: {  	[hbm4b:s19+s21] =	stream.strided.scatter [tilespmem:s3], [sflag:$0x2], $0x400, s22, s21, $0x38;
	[tilespmem:$0x1E000] =	vst v63  }
0x122: {  	s13 =	sadd.s32 $0x10400, s1;
	s18 =	sadd.s32 $0x40, s19  }
0x123: {  	[hbm4b:s18+s21] =	stream.strided.scatter [tilespmem:s13], [sflag:$0x2], $0x400, s22, s21, $0x38;
	[tilespmem:$0x1E000] =	vst v63  }
0x124: {  	s13 =	sadd.s32 $0x10800, s1;
	s18 =	sadd.s32 $0x80, s19  }
0x125: {  	[hbm4b:s18+s21] =	stream.strided.scatter [tilespmem:s13], [sflag:$0x2], $0x400, s22, s21, $0x38;
	[tilespmem:$0x1E000] =	vst v63  }
0x126: {  	s13 =	sadd.s32 $0x10C00, s1;
	s18 =	sadd.s32 $0xC0, s19  }
0x127: {  	[hbm4b:s18+s21] =	stream.strided.scatter [tilespmem:s13], [sflag:$0x2], $0x400, s22, s21, $0x38;
	[tilespmem:$0x1E000] =	vst v63  }
0x128: {  	s13 =	sadd.s32 $0x11000, s1;
	s18 =	sadd.s32 $0x100, s19  }
0x129: {  	[hbm4b:s18+s21] =	stream.strided.scatter [tilespmem:s13], [sflag:$0x2], $0x400, s22, s21, $0x38;
	[tilespmem:$0x1E000] =	vst v63  }
0x12a: {  	s13 =	sadd.s32 $0x11400, s1;
	s18 =	sadd.s32 $0x140, s19  }
0x12b: {  	[hbm4b:s18+s21] =	stream.strided.scatter [tilespmem:s13], [sflag:$0x2], $0x400, s22, s21, $0x38;
	[tilespmem:$0x1E000] =	vst v63  }
0x12c: {  	s4 =	sadd.s32 $0x11800, s1;
	s13 =	sadd.s32 $0x180, s19  }
0x12d: {  	[hbm4b:s13+s21] =	stream.strided.scatter [tilespmem:s4], [sflag:$0x2], $0x400, s22, s21, $0x38;
	[tilespmem:$0x1E000] =	vst v63  }
0x12e: {  	s18 =	sadd.s32 $0x11C00, s1;
	s19 =	sadd.s32 $0x1C0, s19  }
0x12f: {  	[hbm4b:s19+s21] =	stream.strided.scatter [tilespmem:s18], [sflag:$0x2], $0x400, s22, s21, $0x38;
	[tilespmem:$0x1E000] =	vst v63  }
0x130: {  	s3 =	simm.s32 $0x10000  }
0x131: {  	[hbm4b:s12+s21] =	stream.strided.scatter [tilespmem:s3], [sflag:$0x2], $0x400, s22, s21, $0x38;
	[tilespmem:$0x1E000] =	vst v63  }
0x132: {  	s4 =	simm.s32 $0x10400;
	s13 =	sadd.s32 $0x40, s12  }
0x133: {  	[hbm4b:s13+s21] =	stream.strided.scatter [tilespmem:s4], [sflag:$0x2], $0x400, s22, s21, $0x38;
	[tilespmem:$0x1E000] =	vst v63  }
0x134: {  	s18 =	simm.s32 $0x10800;
	s19 =	sadd.s32 $0x80, s12  }
0x135: {  	[hbm4b:s19+s21] =	stream.strided.scatter [tilespmem:s18], [sflag:$0x2], $0x400, s22, s21, $0x38;
	[tilespmem:$0x1E000] =	vst v63  }
0x136: {  	s4 =	simm.s32 $0x10C00;
	s13 =	sadd.s32 $0xC0, s12  }
0x137: {  	[hbm4b:s13+s21] =	stream.strided.scatter [tilespmem:s4], [sflag:$0x2], $0x400, s22, s21, $0x38;
	[tilespmem:$0x1E000] =	vst v63  }
0x138: {  	s18 =	simm.s32 $0x11000;
	s19 =	sadd.s32 $0x100, s12  }
0x139: {  	[hbm4b:s19+s21] =	stream.strided.scatter [tilespmem:s18], [sflag:$0x2], $0x400, s22, s21, $0x38;
	[tilespmem:$0x1E000] =	vst v63  }
0x13a: {  	s1 =	simm.s32 $0x2000;
	s4 =	simm.s32 $0x11400;
	s13 =	sadd.s32 $0x140, s12  }
0x13b: {  	[hbm4b:s13+s21] =	stream.strided.scatter [tilespmem:s4], [sflag:$0x2], $0x400, s22, s21, $0x38;
	[tilespmem:$0x1E000] =	vst v63  }
0x13c: {  	s3 =	simm.s32 $0x10000;
	s18 =	simm.s32 $0x11800;
	s19 =	sadd.s32 $0x180, s12  }
0x13d: {  	[hbm4b:s19+s21] =	stream.strided.scatter [tilespmem:s18], [sflag:$0x2], $0x400, s22, s21, $0x38;
	[tilespmem:$0x1E000] =	vst v63  }
0x13e: {  	s4 =	simm.s32 $0x11C00;
	s13 =	sadd.s32 $0x1C0, s12;
	s19 =	sadd.s32 $0x1000, s12  }
.LBB2_16:
0x13f: {  	[hbm4b:s13+s21] =	stream.strided.scatter [tilespmem:s4], [sflag:$0x2], $0x400, s22, s21, $0x38;
	[tilespmem:$0x1E000] =	vst v63  }
0x140: {  	s4 =	smov.u32 s1;
	s1 =	smov.u32 s3  }
0x141: {  	s18 =	sadd.s32 $0x8000, s3;
	s1 =	sshra.s32 s1, $0x2;
	s13 =	sadd.s32 $0x10000, s4  }
0x142: {  	[hbm4b:s19+s21] =	stream.strided.scatter [tilespmem:s13], [sflag:$0x2], $0x400, s22, s21, $0x38;
	[tilespmem:$0x1E000] =	vst v63  }
0x143: {  	p0 =	sne.s32 s3, $0x30000;
	s3 =	sadd.s32 $0x10400, s4;
	s13 =	sadd.s32 $0x40, s19  }
0x144: {  	[hbm4b:s13+s21] =	stream.strided.scatter [tilespmem:s3], [sflag:$0x2], $0x400, s22, s21, $0x38;
	[tilespmem:$0x1E000] =	vst v63  }
0x145: {  	s3 =	sadd.s32 $0x10800, s4;
	s13 =	sadd.s32 $0x80, s19  }
0x146: {  	[hbm4b:s13+s21] =	stream.strided.scatter [tilespmem:s3], [sflag:$0x2], $0x400, s22, s21, $0x38;
	[tilespmem:$0x1E000] =	vst v63  }
0x147: {  	s3 =	sadd.s32 $0x10C00, s4;
	s13 =	sadd.s32 $0xC0, s19  }
0x148: {  	[hbm4b:s13+s21] =	stream.strided.scatter [tilespmem:s3], [sflag:$0x2], $0x400, s22, s21, $0x38;
	[tilespmem:$0x1E000] =	vst v63  }
0x149: {  	s3 =	sadd.s32 $0x11000, s4;
	s13 =	sadd.s32 $0x100, s19  }
0x14a: {  	[hbm4b:s13+s21] =	stream.strided.scatter [tilespmem:s3], [sflag:$0x2], $0x400, s22, s21, $0x38;
	[tilespmem:$0x1E000] =	vst v63  }
.Ltmp7:
0x14b: {  	s3 =	sadd.s32 $0x11400, s4;
	s13 =	sadd.s32 $0x140, s19;
	(pc) =	sbr.rel @p0 .LBB2_16-.Ltmp7, $4  }
0x14c: {  	[hbm4b:s13+s21] =	stream.strided.scatter [tilespmem:s3], [sflag:$0x2], $0x400, s22, s21, $0x38;
	[tilespmem:$0x1E000] =	vst v63  }
0x14d: {  	s3 =	sadd.s32 $0x11800, s4;
	s13 =	sadd.s32 $0x180, s19;
	s4 =	sadd.s32 $0x11C00, s4  }
0x14e: {  	[hbm4b:s13+s21] =	stream.strided.scatter [tilespmem:s3], [sflag:$0x2], $0x400, s22, s21, $0x38;
	[tilespmem:$0x1E000] =	vst v63  }
0x14f: {  	s13 =	sadd.s32 $0x1C0, s19;
	s19 =	sadd.s32 $0x1000, s19;
	s3 =	smov.u32 s18  }
0x150: {  	[hbm4b:s13+s21] =	stream.strided.scatter [tilespmem:s4], [sflag:$0x2], $0x400, s22, s21, $0x38;
	[tilespmem:$0x1E000] =	vst v63  }
0x151: {  	s3 =	sadd.s32 $0x10000, s1  }
0x152: {  	[hbm4b:s19+s21] =	stream.strided.scatter [tilespmem:s3], [sflag:$0x2], $0x400, s22, s21, $0x38;
	[tilespmem:$0x1E000] =	vst v63  }
0x153: {  	s13 =	sadd.s32 $0x10400, s1;
	s18 =	sadd.s32 $0x40, s19  }
0x154: {  	[hbm4b:s18+s21] =	stream.strided.scatter [tilespmem:s13], [sflag:$0x2], $0x400, s22, s21, $0x38;
	[tilespmem:$0x1E000] =	vst v63  }
0x155: {  	s13 =	sadd.s32 $0x10800, s1;
	s18 =	sadd.s32 $0x80, s19  }
0x156: {  	[hbm4b:s18+s21] =	stream.strided.scatter [tilespmem:s13], [sflag:$0x2], $0x400, s22, s21, $0x38;
	[tilespmem:$0x1E000] =	vst v63  }
0x157: {  	s13 =	sadd.s32 $0x10C00, s1;
	s18 =	sadd.s32 $0xC0, s19  }
0x158: {  	[hbm4b:s18+s21] =	stream.strided.scatter [tilespmem:s13], [sflag:$0x2], $0x400, s22, s21, $0x38;
	[tilespmem:$0x1E000] =	vst v63  }
0x159: {  	s13 =	sadd.s32 $0x11000, s1;
	s18 =	sadd.s32 $0x100, s19  }
0x15a: {  	[hbm4b:s18+s21] =	stream.strided.scatter [tilespmem:s13], [sflag:$0x2], $0x400, s22, s21, $0x38;
	[tilespmem:$0x1E000] =	vst v63  }
0x15b: {  	s13 =	sadd.s32 $0x11400, s1;
	s18 =	sadd.s32 $0x140, s19  }
0x15c: {  	[hbm4b:s18+s21] =	stream.strided.scatter [tilespmem:s13], [sflag:$0x2], $0x400, s22, s21, $0x38;
	[tilespmem:$0x1E000] =	vst v63  }
0x15d: {  	s4 =	sadd.s32 $0x11800, s1;
	s13 =	sadd.s32 $0x180, s19  }
0x15e: {  	[hbm4b:s13+s21] =	stream.strided.scatter [tilespmem:s4], [sflag:$0x2], $0x400, s22, s21, $0x38;
	[tilespmem:$0x1E000] =	vst v63  }
0x15f: {  	s18 =	sadd.s32 $0x11C00, s1;
	s19 =	sadd.s32 $0x1C0, s19  }
0x160: {  	[hbm4b:s19+s21] =	stream.strided.scatter [tilespmem:s18], [sflag:$0x2], $0x400, s22, s21, $0x38;
	[tilespmem:$0x1E000] =	vst v63  }
0x161: {  	_ =	swait.ge [sflag:s23], $0x10000  }
0x162: {  	[sflag:s23] =	ssyncset.done $0x0  }
0x163: {  	[sflag:s23] =	ssyncadd.s32 $0xFFFF0000  }
0x164: {  	_ =	swait.ge [sflag:s23], $0x10000  }
0x165: {  	[sflag:s23] =	ssyncset.done $0x0  }
0x166: {  	[sflag:s23] =	ssyncadd.s32 $0xFFFF0000  }
0x167: {  	_ =	swait.ge [sflag:s23], $0x10000  }
0x168: {  	[sflag:s23] =	ssyncset.done $0x0  }
0x169: {  	[sflag:s23] =	ssyncadd.s32 $0xFFFF0000  }
0x16a: {  	_ =	swait.ge [sflag:s23], $0x10000  }
0x16b: {  	[sflag:s23] =	ssyncset.done $0x0  }
0x16c: {  	s3 =	rddreg [dreg:$0x5];
	[sflag:s23] =	ssyncadd.s32 $0xFFFF0000  }
0x16d: {  	[tilespmem:s2], [sflag:$0x1] =	stream.linear.gather [hbm4b:s3+s2], $0x2000, $0x38;
	[tilespmem:$0x1E000] =	vst v63  }
0x16e: {  	_ =	swait.ge [sflag:s20], $0x2000  }
0x16f: {  	[sflag:s20] =	ssyncset.done $0x0  }
0x170: {  	[sflag:s20] =	ssyncadd.s32 $0xFFFFE000  }
0x171: {  	[hbm4b:s14+s21] =	stream.strided.scatter [tilespmem:s2], [sflag:$0x2], $0x400, s22, s21, $0x38;
	[tilespmem:$0x1E000] =	vst v63  }
0x172: {  	s4 =	sadd.s32 $0x40, s14  }
0x173: {  	[hbm4b:s4+s21] =	stream.strided.scatter [tilespmem:s24], [sflag:$0x2], $0x400, s22, s21, $0x38;
	[tilespmem:$0x1E000] =	vst v63  }
0x174: {  	s13 =	sadd.s32 $0x80, s14  }
0x175: {  	[hbm4b:s13+s21] =	stream.strided.scatter [tilespmem:s25], [sflag:$0x2], $0x400, s22, s21, $0x38;
	[tilespmem:$0x1E000] =	vst v63  }
0x176: {  	s18 =	sadd.s32 $0xC0, s14  }
0x177: {  	[hbm4b:s18+s21] =	stream.strided.scatter [tilespmem:s26], [sflag:$0x2], $0x400, s22, s21, $0x38;
	[tilespmem:$0x1E000] =	vst v63  }
0x178: {  	s19 =	sadd.s32 $0x100, s14  }
0x179: {  	[hbm4b:s19+s21] =	stream.strided.scatter [tilespmem:s22], [sflag:$0x2], $0x400, s22, s21, $0x38;
	[tilespmem:$0x1E000] =	vst v63  }
0x17a: {  	s3 =	sadd.s32 $0x140, s14  }
0x17b: {  	[hbm4b:s3+s21] =	stream.strided.scatter [tilespmem:s28], [sflag:$0x2], $0x400, s22, s21, $0x38;
	[tilespmem:$0x1E000] =	vst v63  }
0x17c: {  	s4 =	sadd.s32 $0x180, s14  }
0x17d: {  	[hbm4b:s4+s21] =	stream.strided.scatter [tilespmem:s29], [sflag:$0x2], $0x400, s22, s21, $0x38;
	[tilespmem:$0x1E000] =	vst v63  }
0x17e: {  	s13 =	sadd.s32 $0x1C0, s14  }
0x17f: {  	[hbm4b:s13+s21] =	stream.strided.scatter [tilespmem:s30], [sflag:$0x2], $0x400, s22, s21, $0x38;
	[tilespmem:$0x1E000] =	vst v63  }
0x180: {  	_ = 	snop  }
0x181: {  	[hbm4b:s15+s21] =	stream.strided.scatter [tilespmem:s2], [sflag:$0x2], $0x400, s22, s21, $0x38;
	[tilespmem:$0x1E000] =	vst v63  }
0x182: {  	s18 =	sadd.s32 $0x40, s15  }
0x183: {  	[hbm4b:s18+s21] =	stream.strided.scatter [tilespmem:s24], [sflag:$0x2], $0x400, s22, s21, $0x38;
	[tilespmem:$0x1E000] =	vst v63  }
0x184: {  	s19 =	sadd.s32 $0x80, s15  }
0x185: {  	[hbm4b:s19+s21] =	stream.strided.scatter [tilespmem:s25], [sflag:$0x2], $0x400, s22, s21, $0x38;
	[tilespmem:$0x1E000] =	vst v63  }
0x186: {  	s3 =	sadd.s32 $0xC0, s15  }
0x187: {  	[hbm4b:s3+s21] =	stream.strided.scatter [tilespmem:s26], [sflag:$0x2], $0x400, s22, s21, $0x38;
	[tilespmem:$0x1E000] =	vst v63  }
0x188: {  	s4 =	sadd.s32 $0x100, s15  }
0x189: {  	[hbm4b:s4+s21] =	stream.strided.scatter [tilespmem:s22], [sflag:$0x2], $0x400, s22, s21, $0x38;
	[tilespmem:$0x1E000] =	vst v63  }
0x18a: {  	s13 =	sadd.s32 $0x140, s15  }
0x18b: {  	[hbm4b:s13+s21] =	stream.strided.scatter [tilespmem:s28], [sflag:$0x2], $0x400, s22, s21, $0x38;
	[tilespmem:$0x1E000] =	vst v63  }
0x18c: {  	s18 =	sadd.s32 $0x180, s15  }
0x18d: {  	[hbm4b:s18+s21] =	stream.strided.scatter [tilespmem:s29], [sflag:$0x2], $0x400, s22, s21, $0x38;
	[tilespmem:$0x1E000] =	vst v63  }
0x18e: {  	s19 =	sadd.s32 $0x1C0, s15  }
0x18f: {  	[hbm4b:s19+s21] =	stream.strided.scatter [tilespmem:s30], [sflag:$0x2], $0x400, s22, s21, $0x38;
	[tilespmem:$0x1E000] =	vst v63  }
0x190: {  	_ = 	snop  }
0x191: {  	[hbm4b:s16+s21] =	stream.strided.scatter [tilespmem:s2], [sflag:$0x2], $0x400, s22, s21, $0x38;
	[tilespmem:$0x1E000] =	vst v63  }
0x192: {  	s3 =	sadd.s32 $0x40, s16  }
0x193: {  	[hbm4b:s3+s21] =	stream.strided.scatter [tilespmem:s24], [sflag:$0x2], $0x400, s22, s21, $0x38;
	[tilespmem:$0x1E000] =	vst v63  }
0x194: {  	s4 =	sadd.s32 $0x80, s16  }
0x195: {  	[hbm4b:s4+s21] =	stream.strided.scatter [tilespmem:s25], [sflag:$0x2], $0x400, s22, s21, $0x38;
	[tilespmem:$0x1E000] =	vst v63  }
0x196: {  	s13 =	sadd.s32 $0xC0, s16  }
0x197: {  	[hbm4b:s13+s21] =	stream.strided.scatter [tilespmem:s26], [sflag:$0x2], $0x400, s22, s21, $0x38;
	[tilespmem:$0x1E000] =	vst v63  }
0x198: {  	s18 =	sadd.s32 $0x100, s16  }
0x199: {  	[hbm4b:s18+s21] =	stream.strided.scatter [tilespmem:s22], [sflag:$0x2], $0x400, s22, s21, $0x38;
	[tilespmem:$0x1E000] =	vst v63  }
0x19a: {  	s19 =	sadd.s32 $0x140, s16  }
0x19b: {  	[hbm4b:s19+s21] =	stream.strided.scatter [tilespmem:s28], [sflag:$0x2], $0x400, s22, s21, $0x38;
	[tilespmem:$0x1E000] =	vst v63  }
0x19c: {  	s3 =	sadd.s32 $0x180, s16  }
0x19d: {  	[hbm4b:s3+s21] =	stream.strided.scatter [tilespmem:s29], [sflag:$0x2], $0x400, s22, s21, $0x38;
	[tilespmem:$0x1E000] =	vst v63  }
0x19e: {  	s4 =	sadd.s32 $0x1C0, s16  }
0x19f: {  	[hbm4b:s4+s21] =	stream.strided.scatter [tilespmem:s30], [sflag:$0x2], $0x400, s22, s21, $0x38;
	[tilespmem:$0x1E000] =	vst v63  }
0x1a0: {  	_ = 	snop  }
0x1a1: {  	[hbm4b:s17+s21] =	stream.strided.scatter [tilespmem:s2], [sflag:$0x2], $0x400, s22, s21, $0x38;
	[tilespmem:$0x1E000] =	vst v63  }
0x1a2: {  	s13 =	sadd.s32 $0x40, s17  }
0x1a3: {  	[hbm4b:s13+s21] =	stream.strided.scatter [tilespmem:s24], [sflag:$0x2], $0x400, s22, s21, $0x38;
	[tilespmem:$0x1E000] =	vst v63  }
0x1a4: {  	s18 =	sadd.s32 $0x80, s17  }
0x1a5: {  	[hbm4b:s18+s21] =	stream.strided.scatter [tilespmem:s25], [sflag:$0x2], $0x400, s22, s21, $0x38;
	[tilespmem:$0x1E000] =	vst v63  }
0x1a6: {  	s19 =	sadd.s32 $0xC0, s17  }
0x1a7: {  	[hbm4b:s19+s21] =	stream.strided.scatter [tilespmem:s26], [sflag:$0x2], $0x400, s22, s21, $0x38;
	[tilespmem:$0x1E000] =	vst v63  }
0x1a8: {  	s3 =	sadd.s32 $0x100, s17  }
0x1a9: {  	[hbm4b:s3+s21] =	stream.strided.scatter [tilespmem:s22], [sflag:$0x2], $0x400, s22, s21, $0x38;
	[tilespmem:$0x1E000] =	vst v63  }
0x1aa: {  	s4 =	sadd.s32 $0x140, s17  }
0x1ab: {  	[hbm4b:s4+s21] =	stream.strided.scatter [tilespmem:s28], [sflag:$0x2], $0x400, s22, s21, $0x38;
	[tilespmem:$0x1E000] =	vst v63  }
0x1ac: {  	s13 =	sadd.s32 $0x180, s17  }
0x1ad: {  	[hbm4b:s13+s21] =	stream.strided.scatter [tilespmem:s29], [sflag:$0x2], $0x400, s22, s21, $0x38;
	[tilespmem:$0x1E000] =	vst v63  }
0x1ae: {  	s18 =	sadd.s32 $0x1C0, s17  }
0x1af: {  	[hbm4b:s18+s21] =	stream.strided.scatter [tilespmem:s30], [sflag:$0x2], $0x400, s22, s21, $0x38;
	[tilespmem:$0x1E000] =	vst v63  }
0x1b0: {  	_ =	swait.ge [sflag:s31], $0xE000  }
0x1b1: {  	[sflag:s31] =	ssyncset.done $0x0  }
0x1b2: {  	[sflag:s31] =	ssyncadd.s32 $0xFFFF2000  }
0x1b3: {  	_ =	swait.ge [sflag:s31], $0xE000  }
0x1b4: {  	[sflag:s31] =	ssyncset.done $0x0  }
0x1b5: {  	[sflag:s31] =	ssyncadd.s32 $0xFFFF2000  }
0x1b6: {  	_ =	swait.ge [sflag:s31], $0xE000  }
0x1b7: {  	[sflag:s31] =	ssyncset.done $0x0  }
0x1b8: {  	[sflag:s31] =	ssyncadd.s32 $0xFFFF2000  }
0x1b9: {  	_ =	swait.ge [sflag:s31], $0xE000  }
0x1ba: {  	[sflag:s31] =	ssyncset.done $0x0  }
0x1bb: {  	[sflag:s31] =	ssyncadd.s32 $0xFFFF2000  }
0x1bc: {  	_ =	swait.ge [sflag:s31], $0x2000  }
0x1bd: {  	[sflag:s31] =	ssyncset.done $0x0  }
0x1be: {  	[sflag:s31] =	ssyncadd.s32 $0xFFFFE000  }
0x1bf: {  	_ =	swait.ge [sflag:s31], $0x2000  }
0x1c0: {  	[sflag:s31] =	ssyncset.done $0x0  }
0x1c1: {  	[sflag:s31] =	ssyncadd.s32 $0xFFFFE000  }
0x1c2: {  	_ =	swait.ge [sflag:s31], $0x2000  }
0x1c3: {  	[sflag:s31] =	ssyncset.done $0x0  }
0x1c4: {  	[sflag:s31] =	ssyncadd.s32 $0xFFFFE000  }
0x1c5: {  	_ =	swait.ge [sflag:s31], $0x2000  }
0x1c6: {  	s0 =	sadd.s32 $0x1, s0;
	s19 =	rddreg [dreg:$0x6]  }
0x1c7: {  	p0 =	sne.s32 s0, s19  }
.Ltmp8:
0x1c8: {  	_ = 	snop;
	(pc) =	sbr.rel @p0 .LBB2_1-.Ltmp8, $3  }
0x1c9: {  	_ =	sdelay $0x1  }
0x1ca: {  	[sflag:s31] =	ssyncset.done $0x0  }
0x1cb: {  	[sflag:s31] =	ssyncadd.s32 $0xFFFFE000  }
0x1cc: {  	_ =	sfence.sel $0x180000  }
0x1cd: {  	[bflag:$0x0] =	sbarrier.arrive $0xFFFF  }
0x1ce: {  	_ =	strace $0x90000047  }
0x1cf: {  	s0 =	stileid.u32;
	[bflag:$0x2] =	sbarrier.arrive $0xFFFF  }
0x1d0: {  	p0 =	sne.s32 s0, $0x0;
	s0 =	rddreg [dreg:$0x2]  }
0x1d1: {  	s0 =	sadd.s32 @!p0 $0x100000, s0  }
0x1d2: {  	[sflag:s0] =	ssyncadd.tile.s32 @!p0 $0x1;
	_ =	shalt  }
.Lfunc_end2:
_tile_overlayer_lowered:
.L_overlay_start_2:
0x1d3: {  	(tag) =	ssettag $0x2  }
0x1d4: {  	s0 =	rddreg [dreg:$0x0];
	s2 =	stileid.u32  }
0x1d5: {  	s1 =	rddreg [dreg:$0x1];
	p0 =	sne.s32 s2, $0x0  }
0x1d6: {  	s3 =	rddreg [dreg:$0x2];
	[bflag:$0x3] =	sbarrier.arrive $0xFFFF;
	s2 =	simm.s32 @!p0 $0x1C04  }
0x1d7: {  	[timem:s3], [sflag:s2] =	dma.local @!p0 [hbm:s0], s1  }
0x1d8: {  	s0 =	simm.s32 @!p0 $0x4  }
0x1d9: {  	_ =	swait.ge @!p0 [sflag:s0], s1  }
0x1da: {  	s1 =	ssub.s32 @!p0 $0x0, s1;
	[sflag:s0] =	ssyncset.done @!p0 $0x0  }
0x1db: {  	[sflag:s0] =	ssyncadd.s32 @!p0 s1  }
0x1dc: {  	[bflag:$0x3] =	sbarrier.arrive $0xFFFF  }
0x1dd: {  	_ =	shalt  }

</sc_bundles>
